<compile_context>
chip_gen: v7x
topology: tpu7x:2x2x1
jax: 0.10.2.dev20260603
libtpu: 0.0.44.dev20260713+nightly
codegen_flags: <defaults>
</compile_context>

<pallas_src>
import functools

import jax
import jax.numpy as jnp
from jax import lax
from jax.experimental import pallas as pl
from jax.experimental.pallas import tpu as pltpu
from jax.experimental.pallas import tpu_sc as plsc

_EPS = 1e-5
_CHUNK = 32
_TC_BLOCK_IMGS = 4
_SC_IMGS = 4
_NW = 32
_SC_ROWS = 128
_SC_DMA_ROWS = 32

_LN2 = 0.6931471805599453
_TWO23 = 8388608.0
_GC = (-1.13380952 * _TWO23, 2.01071821 * _TWO23,
       -1.02948618 * _TWO23, 0.153912422 * _TWO23)


def _rawlog2(x):
    bits = lax.bitcast_convert_type(x, jnp.int32)
    base = bits.astype(jnp.float32)
    m = lax.bitcast_convert_type(
        (bits & 0x7FFFFF) | 0x3F800000, jnp.float32)
    g = jnp.float32(_GC[3])
    g = g * m + _GC[2]
    g = g * m + _GC[1]
    g = g * m + _GC[0]
    return base + g



def _tc_body(p_ref, t_ref, out_ref, acc_ref, *, nsteps):
    i = pl.program_id(0)
    rows = p_ref.shape[1]

    def inner(k, carry):
        s_p, s_pt, s_t, s_f, s_ft = carry
        sl = pl.ds(k * _CHUNK, _CHUNK)
        p = p_ref[:, sl, :]
        tf = t_ref[:, sl, :].astype(jnp.float32)
        la = jnp.log(p + _EPS)
        lb = jnp.log((1.0 + _EPS) - p)
        ent = p * (la - lb) + lb
        s_p = s_p + jnp.sum(p, axis=0)
        s_pt = s_pt + jnp.sum(p * tf, axis=0)
        s_t = s_t + jnp.sum(tf, axis=0)
        s_f = s_f + jnp.sum(ent, axis=0)
        s_ft = s_ft + jnp.sum(ent * tf, axis=0)
        return s_p, s_pt, s_t, s_f, s_ft

    zero = jnp.zeros((_CHUNK, 256), jnp.float32)
    sums = jax.lax.fori_loop(0, rows // _CHUNK, inner,
                             (zero, zero, zero, zero, zero))
    block = jnp.stack(sums, axis=0)

    @pl.when(i == 0)
    def _init():
        acc_ref[...] = block

    @pl.when(i > 0)
    def _accum():
        acc_ref[...] = acc_ref[...] + block

    @pl.when(i == nsteps - 1)
    def _finish():
        acc = acc_ref[...]
        for q in range(5):
            out_ref[0, q] = jnp.sum(acc[q])


def _tc_partial_sums(pred, neg_target, n_imgs):
    nsteps = n_imgs // _TC_BLOCK_IMGS
    return pl.pallas_call(
        functools.partial(_tc_body, nsteps=nsteps),
        grid=(nsteps,),
        in_specs=[
            pl.BlockSpec((_TC_BLOCK_IMGS, 256, 256), lambda i: (i, 0, 0)),
            pl.BlockSpec((_TC_BLOCK_IMGS, 256, 256), lambda i: (i, 0, 0)),
        ],
        out_specs=pl.BlockSpec((1, 5), lambda i: (0, 0),
                               memory_space=pltpu.SMEM),
        out_shape=jax.ShapeDtypeStruct((1, 5), jnp.float32),
        scratch_shapes=[pltpu.VMEM((5, _CHUNK, 256), jnp.float32)],
    )(pred, neg_target)



def _sc_body(p_hbm, t_hbm, out_hbm, pbuf, tbuf, obuf, psem, tsem, *,
             img0, n_imgs):
    c = lax.axis_index("c")
    s = lax.axis_index("s")
    wid = s * 2 + c
    wpi = _NW // n_imgs
    rows_pw = 256 // wpi
    img = img0 + wid // wpi
    row0 = (wid % wpi) * rows_pw

    nstages = rows_pw // _SC_DMA_ROWS

    def start_stage(st, buf_slot):
        sl = pl.ds(row0 + st * _SC_DMA_ROWS, _SC_DMA_ROWS)
        cp_p = pltpu.make_async_copy(
            p_hbm.at[img, sl, :], pbuf.at[buf_slot], psem)
        cp_t = pltpu.make_async_copy(
            t_hbm.at[img, sl, :], tbuf.at[buf_slot], tsem)
        cp_p.start()
        cp_t.start()
        return cp_p, cp_t

    zero = jnp.zeros((16,), jnp.float32)
    accs = (zero, zero, zero, zero, zero)

    cur = start_stage(0, 0)
    for st in range(nstages):
        nxt = start_stage(st + 1, (st + 1) % 2) if st + 1 < nstages else None
        cur[0].wait()
        cur[1].wait()
        slot = st % 2

        def row_body(r, carry):
            s_p, s_pt, s_t, s_f, s_ft = carry
            for cc in range(16):
                colsl = pl.ds(cc * 16, 16)
                p = pbuf[slot, r, colsl]
                tf = tbuf[slot, r, colsl].astype(jnp.float32)
                ra = _rawlog2(p + _EPS)
                rb = _rawlog2((1.0 + _EPS) - p)
                ent = p * (ra - rb) + (rb - 127.0 * _TWO23)
                s_p = s_p + p
                s_pt = s_pt + p * tf
                s_t = s_t + tf
                s_f = s_f + ent
                s_ft = s_ft + ent * tf
            return s_p, s_pt, s_t, s_f, s_ft

        accs = lax.fori_loop(0, _SC_DMA_ROWS, row_body, accs)
        cur = nxt

    for q in range(5):
        obuf[q, :] = accs[q]
    pltpu.sync_copy(obuf, out_hbm.at[wid])


def _sc_partial_sums(pred, neg_target, img0, n_imgs):
    call = pl.kernel(
        functools.partial(_sc_body, img0=img0, n_imgs=n_imgs),
        out_type=jax.ShapeDtypeStruct((_NW, 5, 16), jnp.float32),
        mesh=plsc.VectorSubcoreMesh(core_axis_name="c", subcore_axis_name="s"),
        scratch_types=[
            pltpu.VMEM((2, _SC_DMA_ROWS, 256), jnp.float32),
            pltpu.VMEM((2, _SC_DMA_ROWS, 256), jnp.int32),
            pltpu.VMEM((5, 16), jnp.float32),
            pltpu.SemaphoreType.DMA,
            pltpu.SemaphoreType.DMA,
        ],
    )
    return call(pred, neg_target)


def kernel(pred, neg_target):
    n_total = pred.size
    num_image = pred.shape[0]
    tc = _tc_partial_sums(pred, neg_target, num_image - _SC_IMGS)
    sc = _sc_partial_sums(pred, neg_target, num_image - _SC_IMGS, _SC_IMGS)
    scs = jnp.sum(sc, axis=(0, 2))
    sc_scale = _LN2 / _TWO23
    s_p = tc[0, 0] + scs[0]
    s_pt = tc[0, 1] + scs[1]
    s_t = tc[0, 2] + scs[2]
    s_f = tc[0, 3] + scs[3] * sc_scale
    s_ft = tc[0, 4] + scs[4] * sc_scale
    s_pneg = s_p - s_pt
    c_neg = n_total - s_t
    s_fneg = s_f - s_ft
    pos_avg = s_pt / jnp.maximum(s_t, 1.0)
    l1 = jnp.log(pos_avg + _EPS)
    l2 = jnp.log(1.0 - pos_avg + _EPS)
    entropy = -(s_fneg - l1 * s_pneg - l2 * (c_neg - s_pneg))
    return entropy / num_image

# --- scband reference (transcript-rebuilt; emitter-appended) ---
"""Pipeline reference for scband-negative-selective-loss-74062416053519 (READ-ONLY COPY).

The authoritative reference and input builder live on the scoring server;
editing this copy changes nothing except your own understanding.
"""

import jax, jax.numpy as jnp
import numpy as np
import math


def setup_inputs(seed: int = 0) -> dict:
    key = jax.random.key(seed)
    k1, k2 = jax.random.split(key)
    pred = jax.random.uniform(k1, (64, 256, 256), dtype=jnp.float32)
    neg_target = jax.random.randint(k2, (64, 256, 256), 0, 2).astype(jnp.int32)
    return {"pred": pred, "neg_target": neg_target}


def reference(pred, neg_target):
    # Module hyperparameters (init_kwargs). curr_iter buffer starts at 0 and is
    # incremented once at the start of forward, so after the first call
    # curr_iter == 1 and progress_iter == curr_iter / max_iter == 1.0.
    max_iter = 1
    loss_weight = 1.0
    num_select_exp = 2
    entropy_weight_exp = 2
    curr_iter = 1.0

    num_image = pred.shape[0]
    p = pred.reshape(-1)
    t = neg_target.reshape(-1)

    neg_mask = (t == 0)
    pos_mask = (t > 0)

    progress_iter = curr_iter / max_iter
    num_select_factor = progress_iter ** num_select_exp
    neg_count = jnp.sum(neg_mask)
    # With progress_iter == 1.0, sin(pi/2) == 1 so num_select == neg_count:
    # every negative element is selected (randperm of all indices is a no-op
    # for the subsequent permutation-invariant sum reductions).
    num_select = jnp.floor(neg_count.astype(jnp.float32) * jnp.sin(num_select_factor * math.pi / 2.0)).astype(jnp.int32)

    # pos_avg = pred[neg_target > 0].mean().detach()
    pos_avg = jax.lax.stop_gradient(
        jnp.sum(jnp.where(pos_mask, p, 0.0)) / jnp.maximum(jnp.sum(pos_mask), 1).astype(p.dtype)
    )

    entropy_weight_factor = progress_iter ** entropy_weight_exp
    entropy_weight = progress_iter ** entropy_weight_factor

    # (pred * pred).sum() over selected negatives
    sq_sum = jnp.sum(jnp.where(neg_mask, p * p, 0.0))
    loss = (1.0 - entropy_weight) * sq_sum / 2.0 / num_image

    eps = 10 ** (-5)
    ent_terms = p * jnp.log((p + eps) / (pos_avg + eps)) + (1.0 - p) * jnp.log((1.0 - p + eps) / (1.0 - pos_avg + eps))
    entropy = -jnp.sum(jnp.where(neg_mask, ent_terms, 0.0))
    loss = loss + entropy_weight * entropy / num_image

    return loss * loss_weight

if __name__ == "__main__":
    import jax
    _d = setup_inputs()
    print(jax.jit(kernel)(*tuple(_d.values())))

</pallas_src>

<mosaic_0001>
#map = affine_map<(d0, d1) -> (0, 0, 0)>
module attributes {stable_mosaic.version = 14 : i64} {
  func.func @_sc_body(%arg0: i32, %arg1: i32, %arg2: memref<64x256x256xf32, #tpu.memory_space<hbm>>, %arg3: memref<64x256x256xi32, #tpu.memory_space<hbm>>, %arg4: memref<32x5x16xf32, #tpu.memory_space<hbm>>, %arg5: memref<2x32x256xf32, #tpu.memory_space<vmem>>, %arg6: memref<2x32x256xi32, #tpu.memory_space<vmem>>, %arg7: memref<5x16xf32, #tpu.memory_space<vmem>>, %arg8: memref<!tpu.dma_semaphore, #tpu.memory_space<semaphore_mem>>, %arg9: memref<!tpu.dma_semaphore, #tpu.memory_space<semaphore_mem>>) attributes {dimension_semantics = [#tpu.dimension_semantics<core_parallel>, #tpu.dimension_semantics<subcore_parallel>], iteration_bounds = array<i64: 2, 16>, scalar_prefetch = 0 : i64, scratch_operands = 5 : i64, tpu.core_type = #tpu.core_type<sc_vector_subcore>, window_params = [{transform_indices = #map}, {transform_indices = #map}, {transform_indices = #map}]} {
    %mul3A = arith.constant 2 : i32
    %mul3A_0 = arith.muli %arg1, %mul3A : i32
    %add3A = arith.addi %mul3A_0, %arg0 : i32
    %jit3A = arith.constant 8 : i32
    %div3A = arith.divsi %add3A, %jit3A : i32
    %sign3A = arith.constant 0 : i32
    %sign3A_1 = arith.cmpi sgt, %add3A, %sign3A : i32
    %sign3A_2 = arith.extui %sign3A_1 : i1 to i32
    %sign3A_3 = arith.constant 0 : i32
    %sign3A_4 = arith.cmpi slt, %add3A, %sign3A_3 : i32
    %sign3A_5 = arith.extui %sign3A_4 : i1 to i32
    %sign3A_6 = arith.subi %sign3A_2, %sign3A_5 : i32
    %sign3A_7 = arith.constant 0 : i32
    %sign3A_8 = arith.cmpi sgt, %jit3A, %sign3A_7 : i32
    %sign3A_9 = arith.extui %sign3A_8 : i1 to i32
    %sign3A_10 = arith.constant 0 : i32
    %sign3A_11 = arith.cmpi slt, %jit3A, %sign3A_10 : i32
    %sign3A_12 = arith.extui %sign3A_11 : i1 to i32
    %sign3A_13 = arith.subi %sign3A_9, %sign3A_12 : i32
    %ne3A = arith.cmpi ne, %sign3A_6, %sign3A_13 : i32
    %rem3A = arith.remsi %add3A, %jit3A : i32
    %ne3A_14 = arith.constant 0 : i32
    %ne3A_15 = arith.cmpi ne, %rem3A, %ne3A_14 : i32
    %and3A = arith.andi %ne3A, %ne3A_15 : i1
    %sub3A = arith.constant 1 : i32
    %sub3A_16 = arith.subi %div3A, %sub3A : i32
    %select_n3A = arith.select %and3A, %sub3A_16, %div3A : i32
    %add3A_17 = arith.constant 60 : i32
    %add3A_18 = arith.addi %add3A_17, %select_n3A : i32
    %jit3A_19 = arith.constant 8 : i32
    %eq3A = arith.constant 0 : i32
    %eq3A_20 = arith.cmpi eq, %jit3A_19, %eq3A : i32
    %jit3A_21 = arith.constant 1 : i32
    %select_n3A_22 = arith.select %eq3A_20, %jit3A_21, %jit3A_19 : i32
    %rem3A_23 = arith.remsi %add3A, %select_n3A_22 : i32
    %ne3A_24 = arith.constant 0 : i32
    %ne3A_25 = arith.cmpi ne, %rem3A_23, %ne3A_24 : i32
    %lt3A = arith.constant 0 : i32
    %lt3A_26 = arith.cmpi slt, %rem3A_23, %lt3A : i32
    %lt3A_27 = arith.constant 0 : i32
    %lt3A_28 = arith.cmpi slt, %select_n3A_22, %lt3A_27 : i32
    %ne3A_29 = arith.xori %lt3A_26, %lt3A_28 : i1
    %and3A_30 = arith.andi %ne3A_29, %ne3A_25 : i1
    %add3A_31 = arith.addi %rem3A_23, %select_n3A_22 : i32
    %select_n3A_32 = arith.select %and3A_30, %add3A_31, %rem3A_23 : i32
    %mul3A_33 = arith.constant 32 : i32
    %mul3A_34 = arith.muli %select_n3A_32, %mul3A_33 : i32
    %broadcast_in_dim3A = arith.constant 0.000000e+00 : f32
    %broadcast_in_dim3A_35 = vector.broadcast %broadcast_in_dim3A : f32 to vector<16xf32>
    %add3A_36 = arith.constant 0 : i32
    %add3A_37 = arith.addi %mul3A_34, %add3A_36 : i32
    %dma_start3A = arith.constant 0 : i32
    %dma_start3A_38 = arith.constant 0 : i32
    %dma_start3A_39 = arith.constant 0 : i32
    %dma_start3A_40 = tpu.memref_slice %arg5[%dma_start3A, %dma_start3A_38, %dma_start3A_39] : memref<2x32x256xf32, #tpu.memory_space<vmem>> -> memref<1x32x256xf32, #tpu.memory_space<vmem>>
    %dma_start3A_41 = tpu.memref_squeeze %dma_start3A_40 : memref<1x32x256xf32, #tpu.memory_space<vmem>> -> memref<32x256xf32, #tpu.memory_space<vmem>>
    %dma_start3A_42 = arith.constant 0 : i32
    %dma_start3A_43 = tpu.memref_slice %arg2[%add3A_18, %add3A_37, %dma_start3A_42] : memref<64x256x256xf32, #tpu.memory_space<hbm>> -> memref<1x32x256xf32, #tpu.memory_space<hbm>>
    %dma_start3A_44 = tpu.memref_squeeze %dma_start3A_43 : memref<1x32x256xf32, #tpu.memory_space<hbm>> -> memref<32x256xf32, #tpu.memory_space<hbm>>
    %dma_start3A_45 = arith.constant 0 : i32
    %dma_start3A_46 = arith.constant 0 : i32
    %dma_start3A_47 = tpu.memref_slice %arg5[%dma_start3A, %dma_start3A_45, %dma_start3A_46] : memref<2x32x256xf32, #tpu.memory_space<vmem>> -> memref<1x32x256xf32, #tpu.memory_space<vmem>>
    %dma_start3A_48 = tpu.memref_squeeze %dma_start3A_47 : memref<1x32x256xf32, #tpu.memory_space<vmem>> -> memref<32x256xf32, #tpu.memory_space<vmem>>
    %dma_start3A_49 = arith.constant 0 : i32
    %dma_start3A_50 = tpu.memref_slice %arg2[%add3A_18, %add3A_37, %dma_start3A_49] : memref<64x256x256xf32, #tpu.memory_space<hbm>> -> memref<1x32x256xf32, #tpu.memory_space<hbm>>
    %dma_start3A_51 = tpu.memref_squeeze %dma_start3A_50 : memref<1x32x256xf32, #tpu.memory_space<hbm>> -> memref<32x256xf32, #tpu.memory_space<hbm>>
    tpu.enqueue_dma source(%dma_start3A_51 : memref<32x256xf32, #tpu.memory_space<hbm>>) target(%dma_start3A_48 : memref<32x256xf32, #tpu.memory_space<vmem>>) target_semaphore(%arg8 : memref<!tpu.dma_semaphore, #tpu.memory_space<semaphore_mem>>)
    %dma_start3A_52 = arith.constant 0 : i32
    %dma_start3A_53 = arith.constant 0 : i32
    %dma_start3A_54 = arith.constant 0 : i32
    %dma_start3A_55 = tpu.memref_slice %arg6[%dma_start3A_52, %dma_start3A_53, %dma_start3A_54] : memref<2x32x256xi32, #tpu.memory_space<vmem>> -> memref<1x32x256xi32, #tpu.memory_space<vmem>>
    %dma_start3A_56 = tpu.memref_squeeze %dma_start3A_55 : memref<1x32x256xi32, #tpu.memory_space<vmem>> -> memref<32x256xi32, #tpu.memory_space<vmem>>
    %dma_start3A_57 = arith.constant 0 : i32
    %dma_start3A_58 = tpu.memref_slice %arg3[%add3A_18, %add3A_37, %dma_start3A_57] : memref<64x256x256xi32, #tpu.memory_space<hbm>> -> memref<1x32x256xi32, #tpu.memory_space<hbm>>
    %dma_start3A_59 = tpu.memref_squeeze %dma_start3A_58 : memref<1x32x256xi32, #tpu.memory_space<hbm>> -> memref<32x256xi32, #tpu.memory_space<hbm>>
    %dma_start3A_60 = arith.constant 0 : i32
    %dma_start3A_61 = arith.constant 0 : i32
    %dma_start3A_62 = tpu.memref_slice %arg6[%dma_start3A_52, %dma_start3A_60, %dma_start3A_61] : memref<2x32x256xi32, #tpu.memory_space<vmem>> -> memref<1x32x256xi32, #tpu.memory_space<vmem>>
    %dma_start3A_63 = tpu.memref_squeeze %dma_start3A_62 : memref<1x32x256xi32, #tpu.memory_space<vmem>> -> memref<32x256xi32, #tpu.memory_space<vmem>>
    %dma_start3A_64 = arith.constant 0 : i32
    %dma_start3A_65 = tpu.memref_slice %arg3[%add3A_18, %add3A_37, %dma_start3A_64] : memref<64x256x256xi32, #tpu.memory_space<hbm>> -> memref<1x32x256xi32, #tpu.memory_space<hbm>>
    %dma_start3A_66 = tpu.memref_squeeze %dma_start3A_65 : memref<1x32x256xi32, #tpu.memory_space<hbm>> -> memref<32x256xi32, #tpu.memory_space<hbm>>
    tpu.enqueue_dma source(%dma_start3A_66 : memref<32x256xi32, #tpu.memory_space<hbm>>) target(%dma_start3A_63 : memref<32x256xi32, #tpu.memory_space<vmem>>) target_semaphore(%arg9 : memref<!tpu.dma_semaphore, #tpu.memory_space<semaphore_mem>>)
    %dma_wait3A = arith.constant 0 : i32
    %dma_wait3A_67 = arith.constant 0 : i32
    %dma_wait3A_68 = arith.constant 0 : i32
    %dma_wait3A_69 = tpu.memref_slice %arg5[%dma_wait3A, %dma_wait3A_67, %dma_wait3A_68] : memref<2x32x256xf32, #tpu.memory_space<vmem>> -> memref<1x32x256xf32, #tpu.memory_space<vmem>>
    %dma_wait3A_70 = tpu.memref_squeeze %dma_wait3A_69 : memref<1x32x256xf32, #tpu.memory_space<vmem>> -> memref<32x256xf32, #tpu.memory_space<vmem>>
    %dma_wait3A_71 = arith.constant 0 : i32
    %dma_wait3A_72 = tpu.memref_slice %arg2[%add3A_18, %add3A_37, %dma_wait3A_71] : memref<64x256x256xf32, #tpu.memory_space<hbm>> -> memref<1x32x256xf32, #tpu.memory_space<hbm>>
    %dma_wait3A_73 = tpu.memref_squeeze %dma_wait3A_72 : memref<1x32x256xf32, #tpu.memory_space<hbm>> -> memref<32x256xf32, #tpu.memory_space<hbm>>
    %dma_wait3A_74 = arith.constant 0 : i32
    %dma_wait3A_75 = arith.constant 0 : i32
    %dma_wait3A_76 = tpu.memref_slice %arg5[%dma_wait3A, %dma_wait3A_74, %dma_wait3A_75] : memref<2x32x256xf32, #tpu.memory_space<vmem>> -> memref<1x32x256xf32, #tpu.memory_space<vmem>>
    %dma_wait3A_77 = tpu.memref_squeeze %dma_wait3A_76 : memref<1x32x256xf32, #tpu.memory_space<vmem>> -> memref<32x256xf32, #tpu.memory_space<vmem>>
    %dma_wait3A_78 = arith.constant 0 : i32
    %dma_wait3A_79 = tpu.memref_slice %arg2[%add3A_18, %add3A_37, %dma_wait3A_78] : memref<64x256x256xf32, #tpu.memory_space<hbm>> -> memref<1x32x256xf32, #tpu.memory_space<hbm>>
    %dma_wait3A_80 = tpu.memref_squeeze %dma_wait3A_79 : memref<1x32x256xf32, #tpu.memory_space<hbm>> -> memref<32x256xf32, #tpu.memory_space<hbm>>
    tpu.wait_dma2 semaphore(%arg8 : memref<!tpu.dma_semaphore, #tpu.memory_space<semaphore_mem>>) src(%dma_wait3A_80 : memref<32x256xf32, #tpu.memory_space<hbm>>) dst(%dma_wait3A_77 : memref<32x256xf32, #tpu.memory_space<vmem>>)
    %dma_wait3A_81 = arith.constant 0 : i32
    %dma_wait3A_82 = arith.constant 0 : i32
    %dma_wait3A_83 = arith.constant 0 : i32
    %dma_wait3A_84 = tpu.memref_slice %arg6[%dma_wait3A_81, %dma_wait3A_82, %dma_wait3A_83] : memref<2x32x256xi32, #tpu.memory_space<vmem>> -> memref<1x32x256xi32, #tpu.memory_space<vmem>>
    %dma_wait3A_85 = tpu.memref_squeeze %dma_wait3A_84 : memref<1x32x256xi32, #tpu.memory_space<vmem>> -> memref<32x256xi32, #tpu.memory_space<vmem>>
    %dma_wait3A_86 = arith.constant 0 : i32
    %dma_wait3A_87 = tpu.memref_slice %arg3[%add3A_18, %add3A_37, %dma_wait3A_86] : memref<64x256x256xi32, #tpu.memory_space<hbm>> -> memref<1x32x256xi32, #tpu.memory_space<hbm>>
    %dma_wait3A_88 = tpu.memref_squeeze %dma_wait3A_87 : memref<1x32x256xi32, #tpu.memory_space<hbm>> -> memref<32x256xi32, #tpu.memory_space<hbm>>
    %dma_wait3A_89 = arith.constant 0 : i32
    %dma_wait3A_90 = arith.constant 0 : i32
    %dma_wait3A_91 = tpu.memref_slice %arg6[%dma_wait3A_81, %dma_wait3A_89, %dma_wait3A_90] : memref<2x32x256xi32, #tpu.memory_space<vmem>> -> memref<1x32x256xi32, #tpu.memory_space<vmem>>
    %dma_wait3A_92 = tpu.memref_squeeze %dma_wait3A_91 : memref<1x32x256xi32, #tpu.memory_space<vmem>> -> memref<32x256xi32, #tpu.memory_space<vmem>>
    %dma_wait3A_93 = arith.constant 0 : i32
    %dma_wait3A_94 = tpu.memref_slice %arg3[%add3A_18, %add3A_37, %dma_wait3A_93] : memref<64x256x256xi32, #tpu.memory_space<hbm>> -> memref<1x32x256xi32, #tpu.memory_space<hbm>>
    %dma_wait3A_95 = tpu.memref_squeeze %dma_wait3A_94 : memref<1x32x256xi32, #tpu.memory_space<hbm>> -> memref<32x256xi32, #tpu.memory_space<hbm>>
    tpu.wait_dma2 semaphore(%arg9 : memref<!tpu.dma_semaphore, #tpu.memory_space<semaphore_mem>>) src(%dma_wait3A_95 : memref<32x256xi32, #tpu.memory_space<hbm>>) dst(%dma_wait3A_92 : memref<32x256xi32, #tpu.memory_space<vmem>>)
    %scan3A = arith.constant 0 : i32
    %scan3A_96 = arith.constant 32 : i32
    %scan3A_97 = arith.addi %scan3A, %scan3A_96 : i32
    %scan3A_98 = arith.constant 1 : i32
    %scan3A_99:5 = scf.for %scan3A_130 = %scan3A to %scan3A_97 step %scan3A_98 iter_args(%scan3A_131 = %broadcast_in_dim3A_35, %scan3A_132 = %broadcast_in_dim3A_35, %scan3A_133 = %broadcast_in_dim3A_35, %scan3A_134 = %broadcast_in_dim3A_35, %scan3A_135 = %broadcast_in_dim3A_35) -> (vector<16xf32>, vector<16xf32>, vector<16xf32>, vector<16xf32>, vector<16xf32>)  : i32 {
      %get3A = arith.constant 0 : i32
      %get3A_136 = arith.index_cast %get3A : i32 to index
      %get3A_137 = arith.index_cast %scan3A_130 : i32 to index
      %get3A_138 = arith.constant 0 : index
      %get3A_139 = tpu.vector_load %arg5[%get3A_136, %get3A_137, %get3A_138] {strides = array<i32>} : memref<2x32x256xf32, #tpu.memory_space<vmem>>, vector<1x1x16xf32>,
      %get3A_140 = vector.shape_cast %get3A_139 : vector<1x1x16xf32> to vector<16xf32>
      %get3A_141 = arith.constant 0 : i32
      %get3A_142 = arith.index_cast %get3A_141 : i32 to index
      %get3A_143 = arith.index_cast %scan3A_130 : i32 to index
      %get3A_144 = arith.constant 0 : index
      %get3A_145 = tpu.vector_load %arg6[%get3A_142, %get3A_143, %get3A_144] {strides = array<i32>} : memref<2x32x256xi32, #tpu.memory_space<vmem>>, vector<1x1x16xi32>,
      %get3A_146 = vector.shape_cast %get3A_145 : vector<1x1x16xi32> to vector<16xi32>
      %convert_element_type3A = arith.sitofp %get3A_146 : vector<16xi32> to vector<16xf32>
      %add3A_147 = arith.constant 9.99999974E-6 : f32
      %add3A_148 = vector.broadcast %add3A_147 : f32 to vector<16xf32>
      %add3A_149 = arith.addf %get3A_140, %add3A_148 : vector<16xf32>
      %bitcast_convert_type3A = tpu.bitcast %add3A_149 : vector<16xf32> -> vector<16xi32>
      %convert_element_type3A_150 = arith.sitofp %bitcast_convert_type3A : vector<16xi32> to vector<16xf32>
      %and3A_151 = arith.constant 8388607 : i32
      %and3A_152 = vector.broadcast %and3A_151 : i32 to vector<16xi32>
      %and3A_153 = arith.andi %bitcast_convert_type3A, %and3A_152 : vector<16xi32>
      %or3A = arith.constant 1065353216 : i32
      %or3A_154 = vector.broadcast %or3A : i32 to vector<16xi32>
      %or3A_155 = arith.ori %and3A_153, %or3A_154 : vector<16xi32>
      %bitcast_convert_type3A_156 = tpu.bitcast %or3A_155 : vector<16xi32> -> vector<16xf32>
      %mul3A_157 = arith.constant 0x499D9B38 : f32
      %mul3A_158 = vector.broadcast %mul3A_157 : f32 to vector<16xf32>
      %mul3A_159 = arith.mulf %mul3A_158, %bitcast_convert_type3A_156 : vector<16xf32>
      %add3A_160 = arith.constant 0xCB03C634 : f32
      %add3A_161 = vector.broadcast %add3A_160 : f32 to vector<16xf32>
      %add3A_162 = arith.addf %mul3A_159, %add3A_161 : vector<16xf32>
      %mul3A_163 = arith.mulf %add3A_162, %bitcast_convert_type3A_156 : vector<16xf32>
      %add3A_164 = arith.constant 0x4B80AF9B : f32
      %add3A_165 = vector.broadcast %add3A_164 : f32 to vector<16xf32>
      %add3A_166 = arith.addf %mul3A_163, %add3A_165 : vector<16xf32>
      %mul3A_167 = arith.mulf %add3A_166, %bitcast_convert_type3A_156 : vector<16xf32>
      %add3A_168 = arith.constant 0xCB1120AC : f32
      %add3A_169 = vector.broadcast %add3A_168 : f32 to vector<16xf32>
      %add3A_170 = arith.addf %mul3A_167, %add3A_169 : vector<16xf32>
      %add3A_171 = arith.addf %convert_element_type3A_150, %add3A_170 : vector<16xf32>
      %sub3A_172 = arith.constant 1.000010e+00 : f32
      %sub3A_173 = vector.broadcast %sub3A_172 : f32 to vector<16xf32>
      %sub3A_174 = arith.subf %sub3A_173, %get3A_140 : vector<16xf32>
      %bitcast_convert_type3A_175 = tpu.bitcast %sub3A_174 : vector<16xf32> -> vector<16xi32>
      %convert_element_type3A_176 = arith.sitofp %bitcast_convert_type3A_175 : vector<16xi32> to vector<16xf32>
      %and3A_177 = arith.constant 8388607 : i32
      %and3A_178 = vector.broadcast %and3A_177 : i32 to vector<16xi32>
      %and3A_179 = arith.andi %bitcast_convert_type3A_175, %and3A_178 : vector<16xi32>
      %or3A_180 = arith.constant 1065353216 : i32
      %or3A_181 = vector.broadcast %or3A_180 : i32 to vector<16xi32>
      %or3A_182 = arith.ori %and3A_179, %or3A_181 : vector<16xi32>
      %bitcast_convert_type3A_183 = tpu.bitcast %or3A_182 : vector<16xi32> -> vector<16xf32>
      %mul3A_184 = arith.constant 0x499D9B38 : f32
      %mul3A_185 = vector.broadcast %mul3A_184 : f32 to vector<16xf32>
      %mul3A_186 = arith.mulf %mul3A_185, %bitcast_convert_type3A_183 : vector<16xf32>
      %add3A_187 = arith.constant 0xCB03C634 : f32
      %add3A_188 = vector.broadcast %add3A_187 : f32 to vector<16xf32>
      %add3A_189 = arith.addf %mul3A_186, %add3A_188 : vector<16xf32>
      %mul3A_190 = arith.mulf %add3A_189, %bitcast_convert_type3A_183 : vector<16xf32>
      %add3A_191 = arith.constant 0x4B80AF9B : f32
      %add3A_192 = vector.broadcast %add3A_191 : f32 to vector<16xf32>
      %add3A_193 = arith.addf %mul3A_190, %add3A_192 : vector<16xf32>
      %mul3A_194 = arith.mulf %add3A_193, %bitcast_convert_type3A_183 : vector<16xf32>
      %add3A_195 = arith.constant 0xCB1120AC : f32
      %add3A_196 = vector.broadcast %add3A_195 : f32 to vector<16xf32>
      %add3A_197 = arith.addf %mul3A_194, %add3A_196 : vector<16xf32>
      %add3A_198 = arith.addf %convert_element_type3A_176, %add3A_197 : vector<16xf32>
      %sub3A_199 = arith.subf %add3A_171, %add3A_198 : vector<16xf32>
      %mul3A_200 = arith.mulf %get3A_140, %sub3A_199 : vector<16xf32>
      %sub3A_201 = arith.constant 1.06535322E+9 : f32
      %sub3A_202 = vector.broadcast %sub3A_201 : f32 to vector<16xf32>
      %sub3A_203 = arith.subf %add3A_198, %sub3A_202 : vector<16xf32>
      %add3A_204 = arith.addf %mul3A_200, %sub3A_203 : vector<16xf32>
      %add3A_205 = arith.addf %scan3A_131, %get3A_140 : vector<16xf32>
      %mul3A_206 = arith.mulf %get3A_140, %convert_element_type3A : vector<16xf32>
      %add3A_207 = arith.addf %scan3A_132, %mul3A_206 : vector<16xf32>
      %add3A_208 = arith.addf %scan3A_133, %convert_element_type3A : vector<16xf32>
      %add3A_209 = arith.addf %scan3A_134, %add3A_204 : vector<16xf32>
      %mul3A_210 = arith.mulf %add3A_204, %convert_element_type3A : vector<16xf32>
      %add3A_211 = arith.addf %scan3A_135, %mul3A_210 : vector<16xf32>
      %get3A_212 = arith.constant 0 : i32
      %get3A_213 = arith.index_cast %get3A_212 : i32 to index
      %get3A_214 = arith.index_cast %scan3A_130 : i32 to index
      %get3A_215 = arith.constant 16 : index
      %get3A_216 = tpu.vector_load %arg5[%get3A_213, %get3A_214, %get3A_215] {strides = array<i32>} : memref<2x32x256xf32, #tpu.memory_space<vmem>>, vector<1x1x16xf32>,
      %get3A_217 = vector.shape_cast %get3A_216 : vector<1x1x16xf32> to vector<16xf32>
      %get3A_218 = arith.constant 0 : i32
      %get3A_219 = arith.index_cast %get3A_218 : i32 to index
      %get3A_220 = arith.index_cast %scan3A_130 : i32 to index
      %get3A_221 = arith.constant 16 : index
      %get3A_222 = tpu.vector_load %arg6[%get3A_219, %get3A_220, %get3A_221] {strides = array<i32>} : memref<2x32x256xi32, #tpu.memory_space<vmem>>, vector<1x1x16xi32>,
      %get3A_223 = vector.shape_cast %get3A_222 : vector<1x1x16xi32> to vector<16xi32>
      %convert_element_type3A_224 = arith.sitofp %get3A_223 : vector<16xi32> to vector<16xf32>
      %add3A_225 = arith.constant 9.99999974E-6 : f32
      %add3A_226 = vector.broadcast %add3A_225 : f32 to vector<16xf32>
      %add3A_227 = arith.addf %get3A_217, %add3A_226 : vector<16xf32>
      %bitcast_convert_type3A_228 = tpu.bitcast %add3A_227 : vector<16xf32> -> vector<16xi32>
      %convert_element_type3A_229 = arith.sitofp %bitcast_convert_type3A_228 : vector<16xi32> to vector<16xf32>
      %and3A_230 = arith.constant 8388607 : i32
      %and3A_231 = vector.broadcast %and3A_230 : i32 to vector<16xi32>
      %and3A_232 = arith.andi %bitcast_convert_type3A_228, %and3A_231 : vector<16xi32>
      %or3A_233 = arith.constant 1065353216 : i32
      %or3A_234 = vector.broadcast %or3A_233 : i32 to vector<16xi32>
      %or3A_235 = arith.ori %and3A_232, %or3A_234 : vector<16xi32>
      %bitcast_convert_type3A_236 = tpu.bitcast %or3A_235 : vector<16xi32> -> vector<16xf32>
      %mul3A_237 = arith.constant 0x499D9B38 : f32
      %mul3A_238 = vector.broadcast %mul3A_237 : f32 to vector<16xf32>
      %mul3A_239 = arith.mulf %mul3A_238, %bitcast_convert_type3A_236 : vector<16xf32>
      %add3A_240 = arith.constant 0xCB03C634 : f32
      %add3A_241 = vector.broadcast %add3A_240 : f32 to vector<16xf32>
      %add3A_242 = arith.addf %mul3A_239, %add3A_241 : vector<16xf32>
      %mul3A_243 = arith.mulf %add3A_242, %bitcast_convert_type3A_236 : vector<16xf32>
      %add3A_244 = arith.constant 0x4B80AF9B : f32
      %add3A_245 = vector.broadcast %add3A_244 : f32 to vector<16xf32>
      %add3A_246 = arith.addf %mul3A_243, %add3A_245 : vector<16xf32>
      %mul3A_247 = arith.mulf %add3A_246, %bitcast_convert_type3A_236 : vector<16xf32>
      %add3A_248 = arith.constant 0xCB1120AC : f32
      %add3A_249 = vector.broadcast %add3A_248 : f32 to vector<16xf32>
      %add3A_250 = arith.addf %mul3A_247, %add3A_249 : vector<16xf32>
      %add3A_251 = arith.addf %convert_element_type3A_229, %add3A_250 : vector<16xf32>
      %sub3A_252 = arith.constant 1.000010e+00 : f32
      %sub3A_253 = vector.broadcast %sub3A_252 : f32 to vector<16xf32>
      %sub3A_254 = arith.subf %sub3A_253, %get3A_217 : vector<16xf32>
      %bitcast_convert_type3A_255 = tpu.bitcast %sub3A_254 : vector<16xf32> -> vector<16xi32>
      %convert_element_type3A_256 = arith.sitofp %bitcast_convert_type3A_255 : vector<16xi32> to vector<16xf32>
      %and3A_257 = arith.constant 8388607 : i32
      %and3A_258 = vector.broadcast %and3A_257 : i32 to vector<16xi32>
      %and3A_259 = arith.andi %bitcast_convert_type3A_255, %and3A_258 : vector<16xi32>
      %or3A_260 = arith.constant 1065353216 : i32
      %or3A_261 = vector.broadcast %or3A_260 : i32 to vector<16xi32>
      %or3A_262 = arith.ori %and3A_259, %or3A_261 : vector<16xi32>
      %bitcast_convert_type3A_263 = tpu.bitcast %or3A_262 : vector<16xi32> -> vector<16xf32>
      %mul3A_264 = arith.constant 0x499D9B38 : f32
      %mul3A_265 = vector.broadcast %mul3A_264 : f32 to vector<16xf32>
      %mul3A_266 = arith.mulf %mul3A_265, %bitcast_convert_type3A_263 : vector<16xf32>
      %add3A_267 = arith.constant 0xCB03C634 : f32
      %add3A_268 = vector.broadcast %add3A_267 : f32 to vector<16xf32>
      %add3A_269 = arith.addf %mul3A_266, %add3A_268 : vector<16xf32>
      %mul3A_270 = arith.mulf %add3A_269, %bitcast_convert_type3A_263 : vector<16xf32>
      %add3A_271 = arith.constant 0x4B80AF9B : f32
      %add3A_272 = vector.broadcast %add3A_271 : f32 to vector<16xf32>
      %add3A_273 = arith.addf %mul3A_270, %add3A_272 : vector<16xf32>
      %mul3A_274 = arith.mulf %add3A_273, %bitcast_convert_type3A_263 : vector<16xf32>
      %add3A_275 = arith.constant 0xCB1120AC : f32
      %add3A_276 = vector.broadcast %add3A_275 : f32 to vector<16xf32>
      %add3A_277 = arith.addf %mul3A_274, %add3A_276 : vector<16xf32>
      %add3A_278 = arith.addf %convert_element_type3A_256, %add3A_277 : vector<16xf32>
      %sub3A_279 = arith.subf %add3A_251, %add3A_278 : vector<16xf32>
      %mul3A_280 = arith.mulf %get3A_217, %sub3A_279 : vector<16xf32>
      %sub3A_281 = arith.constant 1.06535322E+9 : f32
      %sub3A_282 = vector.broadcast %sub3A_281 : f32 to vector<16xf32>
      %sub3A_283 = arith.subf %add3A_278, %sub3A_282 : vector<16xf32>
      %add3A_284 = arith.addf %mul3A_280, %sub3A_283 : vector<16xf32>
      %add3A_285 = arith.addf %add3A_205, %get3A_217 : vector<16xf32>
      %mul3A_286 = arith.mulf %get3A_217, %convert_element_type3A_224 : vector<16xf32>
      %add3A_287 = arith.addf %add3A_207, %mul3A_286 : vector<16xf32>
      %add3A_288 = arith.addf %add3A_208, %convert_element_type3A_224 : vector<16xf32>
      %add3A_289 = arith.addf %add3A_209, %add3A_284 : vector<16xf32>
      %mul3A_290 = arith.mulf %add3A_284, %convert_element_type3A_224 : vector<16xf32>
      %add3A_291 = arith.addf %add3A_211, %mul3A_290 : vector<16xf32>
      %get3A_292 = arith.constant 0 : i32
      %get3A_293 = arith.index_cast %get3A_292 : i32 to index
      %get3A_294 = arith.index_cast %scan3A_130 : i32 to index
      %get3A_295 = arith.constant 32 : index
      %get3A_296 = tpu.vector_load %arg5[%get3A_293, %get3A_294, %get3A_295] {strides = array<i32>} : memref<2x32x256xf32, #tpu.memory_space<vmem>>, vector<1x1x16xf32>,
      %get3A_297 = vector.shape_cast %get3A_296 : vector<1x1x16xf32> to vector<16xf32>
      %get3A_298 = arith.constant 0 : i32
      %get3A_299 = arith.index_cast %get3A_298 : i32 to index
      %get3A_300 = arith.index_cast %scan3A_130 : i32 to index
      %get3A_301 = arith.constant 32 : index
      %get3A_302 = tpu.vector_load %arg6[%get3A_299, %get3A_300, %get3A_301] {strides = array<i32>} : memref<2x32x256xi32, #tpu.memory_space<vmem>>, vector<1x1x16xi32>,
      %get3A_303 = vector.shape_cast %get3A_302 : vector<1x1x16xi32> to vector<16xi32>
      %convert_element_type3A_304 = arith.sitofp %get3A_303 : vector<16xi32> to vector<16xf32>
      %add3A_305 = arith.constant 9.99999974E-6 : f32
      %add3A_306 = vector.broadcast %add3A_305 : f32 to vector<16xf32>
      %add3A_307 = arith.addf %get3A_297, %add3A_306 : vector<16xf32>
      %bitcast_convert_type3A_308 = tpu.bitcast %add3A_307 : vector<16xf32> -> vector<16xi32>
      %convert_element_type3A_309 = arith.sitofp %bitcast_convert_type3A_308 : vector<16xi32> to vector<16xf32>
      %and3A_310 = arith.constant 8388607 : i32
      %and3A_311 = vector.broadcast %and3A_310 : i32 to vector<16xi32>
      %and3A_312 = arith.andi %bitcast_convert_type3A_308, %and3A_311 : vector<16xi32>
      %or3A_313 = arith.constant 1065353216 : i32
      %or3A_314 = vector.broadcast %or3A_313 : i32 to vector<16xi32>
      %or3A_315 = arith.ori %and3A_312, %or3A_314 : vector<16xi32>
      %bitcast_convert_type3A_316 = tpu.bitcast %or3A_315 : vector<16xi32> -> vector<16xf32>
      %mul3A_317 = arith.constant 0x499D9B38 : f32
      %mul3A_318 = vector.broadcast %mul3A_317 : f32 to vector<16xf32>
      %mul3A_319 = arith.mulf %mul3A_318, %bitcast_convert_type3A_316 : vector<16xf32>
      %add3A_320 = arith.constant 0xCB03C634 : f32
      %add3A_321 = vector.broadcast %add3A_320 : f32 to vector<16xf32>
      %add3A_322 = arith.addf %mul3A_319, %add3A_321 : vector<16xf32>
      %mul3A_323 = arith.mulf %add3A_322, %bitcast_convert_type3A_316 : vector<16xf32>
      %add3A_324 = arith.constant 0x4B80AF9B : f32
      %add3A_325 = vector.broadcast %add3A_324 : f32 to vector<16xf32>
      %add3A_326 = arith.addf %mul3A_323, %add3A_325 : vector<16xf32>
      %mul3A_327 = arith.mulf %add3A_326, %bitcast_convert_type3A_316 : vector<16xf32>
      %add3A_328 = arith.constant 0xCB1120AC : f32
      %add3A_329 = vector.broadcast %add3A_328 : f32 to vector<16xf32>
      %add3A_330 = arith.addf %mul3A_327, %add3A_329 : vector<16xf32>
      %add3A_331 = arith.addf %convert_element_type3A_309, %add3A_330 : vector<16xf32>
      %sub3A_332 = arith.constant 1.000010e+00 : f32
      %sub3A_333 = vector.broadcast %sub3A_332 : f32 to vector<16xf32>
      %sub3A_334 = arith.subf %sub3A_333, %get3A_297 : vector<16xf32>
      %bitcast_convert_type3A_335 = tpu.bitcast %sub3A_334 : vector<16xf32> -> vector<16xi32>
      %convert_element_type3A_336 = arith.sitofp %bitcast_convert_type3A_335 : vector<16xi32> to vector<16xf32>
      %and3A_337 = arith.constant 8388607 : i32
      %and3A_338 = vector.broadcast %and3A_337 : i32 to vector<16xi32>
      %and3A_339 = arith.andi %bitcast_convert_type3A_335, %and3A_338 : vector<16xi32>
      %or3A_340 = arith.constant 1065353216 : i32
      %or3A_341 = vector.broadcast %or3A_340 : i32 to vector<16xi32>
      %or3A_342 = arith.ori %and3A_339, %or3A_341 : vector<16xi32>
      %bitcast_convert_type3A_343 = tpu.bitcast %or3A_342 : vector<16xi32> -> vector<16xf32>
      %mul3A_344 = arith.constant 0x499D9B38 : f32
      %mul3A_345 = vector.broadcast %mul3A_344 : f32 to vector<16xf32>
      %mul3A_346 = arith.mulf %mul3A_345, %bitcast_convert_type3A_343 : vector<16xf32>
      %add3A_347 = arith.constant 0xCB03C634 : f32
      %add3A_348 = vector.broadcast %add3A_347 : f32 to vector<16xf32>
      %add3A_349 = arith.addf %mul3A_346, %add3A_348 : vector<16xf32>
      %mul3A_350 = arith.mulf %add3A_349, %bitcast_convert_type3A_343 : vector<16xf32>
      %add3A_351 = arith.constant 0x4B80AF9B : f32
      %add3A_352 = vector.broadcast %add3A_351 : f32 to vector<16xf32>
      %add3A_353 = arith.addf %mul3A_350, %add3A_352 : vector<16xf32>
      %mul3A_354 = arith.mulf %add3A_353, %bitcast_convert_type3A_343 : vector<16xf32>
      %add3A_355 = arith.constant 0xCB1120AC : f32
      %add3A_356 = vector.broadcast %add3A_355 : f32 to vector<16xf32>
      %add3A_357 = arith.addf %mul3A_354, %add3A_356 : vector<16xf32>
      %add3A_358 = arith.addf %convert_element_type3A_336, %add3A_357 : vector<16xf32>
      %sub3A_359 = arith.subf %add3A_331, %add3A_358 : vector<16xf32>
      %mul3A_360 = arith.mulf %get3A_297, %sub3A_359 : vector<16xf32>
      %sub3A_361 = arith.constant 1.06535322E+9 : f32
      %sub3A_362 = vector.broadcast %sub3A_361 : f32 to vector<16xf32>
      %sub3A_363 = arith.subf %add3A_358, %sub3A_362 : vector<16xf32>
      %add3A_364 = arith.addf %mul3A_360, %sub3A_363 : vector<16xf32>
      %add3A_365 = arith.addf %add3A_285, %get3A_297 : vector<16xf32>
      %mul3A_366 = arith.mulf %get3A_297, %convert_element_type3A_304 : vector<16xf32>
      %add3A_367 = arith.addf %add3A_287, %mul3A_366 : vector<16xf32>
      %add3A_368 = arith.addf %add3A_288, %convert_element_type3A_304 : vector<16xf32>
      %add3A_369 = arith.addf %add3A_289, %add3A_364 : vector<16xf32>
      %mul3A_370 = arith.mulf %add3A_364, %convert_element_type3A_304 : vector<16xf32>
      %add3A_371 = arith.addf %add3A_291, %mul3A_370 : vector<16xf32>
      %get3A_372 = arith.constant 0 : i32
      %get3A_373 = arith.index_cast %get3A_372 : i32 to index
      %get3A_374 = arith.index_cast %scan3A_130 : i32 to index
      %get3A_375 = arith.constant 48 : index
      %get3A_376 = tpu.vector_load %arg5[%get3A_373, %get3A_374, %get3A_375] {strides = array<i32>} : memref<2x32x256xf32, #tpu.memory_space<vmem>>, vector<1x1x16xf32>,
      %get3A_377 = vector.shape_cast %get3A_376 : vector<1x1x16xf32> to vector<16xf32>
      %get3A_378 = arith.constant 0 : i32
      %get3A_379 = arith.index_cast %get3A_378 : i32 to index
      %get3A_380 = arith.index_cast %scan3A_130 : i32 to index
      %get3A_381 = arith.constant 48 : index
      %get3A_382 = tpu.vector_load %arg6[%get3A_379, %get3A_380, %get3A_381] {strides = array<i32>} : memref<2x32x256xi32, #tpu.memory_space<vmem>>, vector<1x1x16xi32>,
      %get3A_383 = vector.shape_cast %get3A_382 : vector<1x1x16xi32> to vector<16xi32>
      %convert_element_type3A_384 = arith.sitofp %get3A_383 : vector<16xi32> to vector<16xf32>
      %add3A_385 = arith.constant 9.99999974E-6 : f32
      %add3A_386 = vector.broadcast %add3A_385 : f32 to vector<16xf32>
      %add3A_387 = arith.addf %get3A_377, %add3A_386 : vector<16xf32>
      %bitcast_convert_type3A_388 = tpu.bitcast %add3A_387 : vector<16xf32> -> vector<16xi32>
      %convert_element_type3A_389 = arith.sitofp %bitcast_convert_type3A_388 : vector<16xi32> to vector<16xf32>
      %and3A_390 = arith.constant 8388607 : i32
      %and3A_391 = vector.broadcast %and3A_390 : i32 to vector<16xi32>
      %and3A_392 = arith.andi %bitcast_convert_type3A_388, %and3A_391 : vector<16xi32>
      %or3A_393 = arith.constant 1065353216 : i32
      %or3A_394 = vector.broadcast %or3A_393 : i32 to vector<16xi32>
      %or3A_395 = arith.ori %and3A_392, %or3A_394 : vector<16xi32>
      %bitcast_convert_type3A_396 = tpu.bitcast %or3A_395 : vector<16xi32> -> vector<16xf32>
      %mul3A_397 = arith.constant 0x499D9B38 : f32
      %mul3A_398 = vector.broadcast %mul3A_397 : f32 to vector<16xf32>
      %mul3A_399 = arith.mulf %mul3A_398, %bitcast_convert_type3A_396 : vector<16xf32>
      %add3A_400 = arith.constant 0xCB03C634 : f32
      %add3A_401 = vector.broadcast %add3A_400 : f32 to vector<16xf32>
      %add3A_402 = arith.addf %mul3A_399, %add3A_401 : vector<16xf32>
      %mul3A_403 = arith.mulf %add3A_402, %bitcast_convert_type3A_396 : vector<16xf32>
      %add3A_404 = arith.constant 0x4B80AF9B : f32
      %add3A_405 = vector.broadcast %add3A_404 : f32 to vector<16xf32>
      %add3A_406 = arith.addf %mul3A_403, %add3A_405 : vector<16xf32>
      %mul3A_407 = arith.mulf %add3A_406, %bitcast_convert_type3A_396 : vector<16xf32>
      %add3A_408 = arith.constant 0xCB1120AC : f32
      %add3A_409 = vector.broadcast %add3A_408 : f32 to vector<16xf32>
      %add3A_410 = arith.addf %mul3A_407, %add3A_409 : vector<16xf32>
      %add3A_411 = arith.addf %convert_element_type3A_389, %add3A_410 : vector<16xf32>
      %sub3A_412 = arith.constant 1.000010e+00 : f32
      %sub3A_413 = vector.broadcast %sub3A_412 : f32 to vector<16xf32>
      %sub3A_414 = arith.subf %sub3A_413, %get3A_377 : vector<16xf32>
      %bitcast_convert_type3A_415 = tpu.bitcast %sub3A_414 : vector<16xf32> -> vector<16xi32>
      %convert_element_type3A_416 = arith.sitofp %bitcast_convert_type3A_415 : vector<16xi32> to vector<16xf32>
      %and3A_417 = arith.constant 8388607 : i32
      %and3A_418 = vector.broadcast %and3A_417 : i32 to vector<16xi32>
      %and3A_419 = arith.andi %bitcast_convert_type3A_415, %and3A_418 : vector<16xi32>
      %or3A_420 = arith.constant 1065353216 : i32
      %or3A_421 = vector.broadcast %or3A_420 : i32 to vector<16xi32>
      %or3A_422 = arith.ori %and3A_419, %or3A_421 : vector<16xi32>
      %bitcast_convert_type3A_423 = tpu.bitcast %or3A_422 : vector<16xi32> -> vector<16xf32>
      %mul3A_424 = arith.constant 0x499D9B38 : f32
      %mul3A_425 = vector.broadcast %mul3A_424 : f32 to vector<16xf32>
      %mul3A_426 = arith.mulf %mul3A_425, %bitcast_convert_type3A_423 : vector<16xf32>
      %add3A_427 = arith.constant 0xCB03C634 : f32
      %add3A_428 = vector.broadcast %add3A_427 : f32 to vector<16xf32>
      %add3A_429 = arith.addf %mul3A_426, %add3A_428 : vector<16xf32>
      %mul3A_430 = arith.mulf %add3A_429, %bitcast_convert_type3A_423 : vector<16xf32>
      %add3A_431 = arith.constant 0x4B80AF9B : f32
      %add3A_432 = vector.broadcast %add3A_431 : f32 to vector<16xf32>
      %add3A_433 = arith.addf %mul3A_430, %add3A_432 : vector<16xf32>
      %mul3A_434 = arith.mulf %add3A_433, %bitcast_convert_type3A_423 : vector<16xf32>
      %add3A_435 = arith.constant 0xCB1120AC : f32
      %add3A_436 = vector.broadcast %add3A_435 : f32 to vector<16xf32>
      %add3A_437 = arith.addf %mul3A_434, %add3A_436 : vector<16xf32>
      %add3A_438 = arith.addf %convert_element_type3A_416, %add3A_437 : vector<16xf32>
      %sub3A_439 = arith.subf %add3A_411, %add3A_438 : vector<16xf32>
      %mul3A_440 = arith.mulf %get3A_377, %sub3A_439 : vector<16xf32>
      %sub3A_441 = arith.constant 1.06535322E+9 : f32
      %sub3A_442 = vector.broadcast %sub3A_441 : f32 to vector<16xf32>
      %sub3A_443 = arith.subf %add3A_438, %sub3A_442 : vector<16xf32>
      %add3A_444 = arith.addf %mul3A_440, %sub3A_443 : vector<16xf32>
      %add3A_445 = arith.addf %add3A_365, %get3A_377 : vector<16xf32>
      %mul3A_446 = arith.mulf %get3A_377, %convert_element_type3A_384 : vector<16xf32>
      %add3A_447 = arith.addf %add3A_367, %mul3A_446 : vector<16xf32>
      %add3A_448 = arith.addf %add3A_368, %convert_element_type3A_384 : vector<16xf32>
      %add3A_449 = arith.addf %add3A_369, %add3A_444 : vector<16xf32>
      %mul3A_450 = arith.mulf %add3A_444, %convert_element_type3A_384 : vector<16xf32>
      %add3A_451 = arith.addf %add3A_371, %mul3A_450 : vector<16xf32>
      %get3A_452 = arith.constant 0 : i32
      %get3A_453 = arith.index_cast %get3A_452 : i32 to index
      %get3A_454 = arith.index_cast %scan3A_130 : i32 to index
      %get3A_455 = arith.constant 64 : index
      %get3A_456 = tpu.vector_load %arg5[%get3A_453, %get3A_454, %get3A_455] {strides = array<i32>} : memref<2x32x256xf32, #tpu.memory_space<vmem>>, vector<1x1x16xf32>,
      %get3A_457 = vector.shape_cast %get3A_456 : vector<1x1x16xf32> to vector<16xf32>
      %get3A_458 = arith.constant 0 : i32
      %get3A_459 = arith.index_cast %get3A_458 : i32 to index
      %get3A_460 = arith.index_cast %scan3A_130 : i32 to index
      %get3A_461 = arith.constant 64 : index
      %get3A_462 = tpu.vector_load %arg6[%get3A_459, %get3A_460, %get3A_461] {strides = array<i32>} : memref<2x32x256xi32, #tpu.memory_space<vmem>>, vector<1x1x16xi32>,
      %get3A_463 = vector.shape_cast %get3A_462 : vector<1x1x16xi32> to vector<16xi32>
      %convert_element_type3A_464 = arith.sitofp %get3A_463 : vector<16xi32> to vector<16xf32>
      %add3A_465 = arith.constant 9.99999974E-6 : f32
      %add3A_466 = vector.broadcast %add3A_465 : f32 to vector<16xf32>
      %add3A_467 = arith.addf %get3A_457, %add3A_466 : vector<16xf32>
      %bitcast_convert_type3A_468 = tpu.bitcast %add3A_467 : vector<16xf32> -> vector<16xi32>
      %convert_element_type3A_469 = arith.sitofp %bitcast_convert_type3A_468 : vector<16xi32> to vector<16xf32>
      %and3A_470 = arith.constant 8388607 : i32
      %and3A_471 = vector.broadcast %and3A_470 : i32 to vector<16xi32>
      %and3A_472 = arith.andi %bitcast_convert_type3A_468, %and3A_471 : vector<16xi32>
      %or3A_473 = arith.constant 1065353216 : i32
      %or3A_474 = vector.broadcast %or3A_473 : i32 to vector<16xi32>
      %or3A_475 = arith.ori %and3A_472, %or3A_474 : vector<16xi32>
      %bitcast_convert_type3A_476 = tpu.bitcast %or3A_475 : vector<16xi32> -> vector<16xf32>
      %mul3A_477 = arith.constant 0x499D9B38 : f32
      %mul3A_478 = vector.broadcast %mul3A_477 : f32 to vector<16xf32>
      %mul3A_479 = arith.mulf %mul3A_478, %bitcast_convert_type3A_476 : vector<16xf32>
      %add3A_480 = arith.constant 0xCB03C634 : f32
      %add3A_481 = vector.broadcast %add3A_480 : f32 to vector<16xf32>
      %add3A_482 = arith.addf %mul3A_479, %add3A_481 : vector<16xf32>
      %mul3A_483 = arith.mulf %add3A_482, %bitcast_convert_type3A_476 : vector<16xf32>
      %add3A_484 = arith.constant 0x4B80AF9B : f32
      %add3A_485 = vector.broadcast %add3A_484 : f32 to vector<16xf32>
      %add3A_486 = arith.addf %mul3A_483, %add3A_485 : vector<16xf32>
      %mul3A_487 = arith.mulf %add3A_486, %bitcast_convert_type3A_476 : vector<16xf32>
      %add3A_488 = arith.constant 0xCB1120AC : f32
      %add3A_489 = vector.broadcast %add3A_488 : f32 to vector<16xf32>
      %add3A_490 = arith.addf %mul3A_487, %add3A_489 : vector<16xf32>
      %add3A_491 = arith.addf %convert_element_type3A_469, %add3A_490 : vector<16xf32>
      %sub3A_492 = arith.constant 1.000010e+00 : f32
      %sub3A_493 = vector.broadcast %sub3A_492 : f32 to vector<16xf32>
      %sub3A_494 = arith.subf %sub3A_493, %get3A_457 : vector<16xf32>
      %bitcast_convert_type3A_495 = tpu.bitcast %sub3A_494 : vector<16xf32> -> vector<16xi32>
      %convert_element_type3A_496 = arith.sitofp %bitcast_convert_type3A_495 : vector<16xi32> to vector<16xf32>
      %and3A_497 = arith.constant 8388607 : i32
      %and3A_498 = vector.broadcast %and3A_497 : i32 to vector<16xi32>
      %and3A_499 = arith.andi %bitcast_convert_type3A_495, %and3A_498 : vector<16xi32>
      %or3A_500 = arith.constant 1065353216 : i32
      %or3A_501 = vector.broadcast %or3A_500 : i32 to vector<16xi32>
      %or3A_502 = arith.ori %and3A_499, %or3A_501 : vector<16xi32>
      %bitcast_convert_type3A_503 = tpu.bitcast %or3A_502 : vector<16xi32> -> vector<16xf32>
      %mul3A_504 = arith.constant 0x499D9B38 : f32
      %mul3A_505 = vector.broadcast %mul3A_504 : f32 to vector<16xf32>
      %mul3A_506 = arith.mulf %mul3A_505, %bitcast_convert_type3A_503 : vector<16xf32>
      %add3A_507 = arith.constant 0xCB03C634 : f32
      %add3A_508 = vector.broadcast %add3A_507 : f32 to vector<16xf32>
      %add3A_509 = arith.addf %mul3A_506, %add3A_508 : vector<16xf32>
      %mul3A_510 = arith.mulf %add3A_509, %bitcast_convert_type3A_503 : vector<16xf32>
      %add3A_511 = arith.constant 0x4B80AF9B : f32
      %add3A_512 = vector.broadcast %add3A_511 : f32 to vector<16xf32>
      %add3A_513 = arith.addf %mul3A_510, %add3A_512 : vector<16xf32>
      %mul3A_514 = arith.mulf %add3A_513, %bitcast_convert_type3A_503 : vector<16xf32>
      %add3A_515 = arith.constant 0xCB1120AC : f32
      %add3A_516 = vector.broadcast %add3A_515 : f32 to vector<16xf32>
      %add3A_517 = arith.addf %mul3A_514, %add3A_516 : vector<16xf32>
      %add3A_518 = arith.addf %convert_element_type3A_496, %add3A_517 : vector<16xf32>
      %sub3A_519 = arith.subf %add3A_491, %add3A_518 : vector<16xf32>
      %mul3A_520 = arith.mulf %get3A_457, %sub3A_519 : vector<16xf32>
      %sub3A_521 = arith.constant 1.06535322E+9 : f32
      %sub3A_522 = vector.broadcast %sub3A_521 : f32 to vector<16xf32>
      %sub3A_523 = arith.subf %add3A_518, %sub3A_522 : vector<16xf32>
      %add3A_524 = arith.addf %mul3A_520, %sub3A_523 : vector<16xf32>
      %add3A_525 = arith.addf %add3A_445, %get3A_457 : vector<16xf32>
      %mul3A_526 = arith.mulf %get3A_457, %convert_element_type3A_464 : vector<16xf32>
      %add3A_527 = arith.addf %add3A_447, %mul3A_526 : vector<16xf32>
      %add3A_528 = arith.addf %add3A_448, %convert_element_type3A_464 : vector<16xf32>
      %add3A_529 = arith.addf %add3A_449, %add3A_524 : vector<16xf32>
      %mul3A_530 = arith.mulf %add3A_524, %convert_element_type3A_464 : vector<16xf32>
      %add3A_531 = arith.addf %add3A_451, %mul3A_530 : vector<16xf32>
      %get3A_532 = arith.constant 0 : i32
      %get3A_533 = arith.index_cast %get3A_532 : i32 to index
      %get3A_534 = arith.index_cast %scan3A_130 : i32 to index
      %get3A_535 = arith.constant 80 : index
      %get3A_536 = tpu.vector_load %arg5[%get3A_533, %get3A_534, %get3A_535] {strides = array<i32>} : memref<2x32x256xf32, #tpu.memory_space<vmem>>, vector<1x1x16xf32>,
      %get3A_537 = vector.shape_cast %get3A_536 : vector<1x1x16xf32> to vector<16xf32>
      %get3A_538 = arith.constant 0 : i32
      %get3A_539 = arith.index_cast %get3A_538 : i32 to index
      %get3A_540 = arith.index_cast %scan3A_130 : i32 to index
      %get3A_541 = arith.constant 80 : index
      %get3A_542 = tpu.vector_load %arg6[%get3A_539, %get3A_540, %get3A_541] {strides = array<i32>} : memref<2x32x256xi32, #tpu.memory_space<vmem>>, vector<1x1x16xi32>,
      %get3A_543 = vector.shape_cast %get3A_542 : vector<1x1x16xi32> to vector<16xi32>
      %convert_element_type3A_544 = arith.sitofp %get3A_543 : vector<16xi32> to vector<16xf32>
      %add3A_545 = arith.constant 9.99999974E-6 : f32
      %add3A_546 = vector.broadcast %add3A_545 : f32 to vector<16xf32>
      %add3A_547 = arith.addf %get3A_537, %add3A_546 : vector<16xf32>
      %bitcast_convert_type3A_548 = tpu.bitcast %add3A_547 : vector<16xf32> -> vector<16xi32>
      %convert_element_type3A_549 = arith.sitofp %bitcast_convert_type3A_548 : vector<16xi32> to vector<16xf32>
      %and3A_550 = arith.constant 8388607 : i32
      %and3A_551 = vector.broadcast %and3A_550 : i32 to vector<16xi32>
      %and3A_552 = arith.andi %bitcast_convert_type3A_548, %and3A_551 : vector<16xi32>
      %or3A_553 = arith.constant 1065353216 : i32
      %or3A_554 = vector.broadcast %or3A_553 : i32 to vector<16xi32>
      %or3A_555 = arith.ori %and3A_552, %or3A_554 : vector<16xi32>
      %bitcast_convert_type3A_556 = tpu.bitcast %or3A_555 : vector<16xi32> -> vector<16xf32>
      %mul3A_557 = arith.constant 0x499D9B38 : f32
      %mul3A_558 = vector.broadcast %mul3A_557 : f32 to vector<16xf32>
      %mul3A_559 = arith.mulf %mul3A_558, %bitcast_convert_type3A_556 : vector<16xf32>
      %add3A_560 = arith.constant 0xCB03C634 : f32
      %add3A_561 = vector.broadcast %add3A_560 : f32 to vector<16xf32>
      %add3A_562 = arith.addf %mul3A_559, %add3A_561 : vector<16xf32>
      %mul3A_563 = arith.mulf %add3A_562, %bitcast_convert_type3A_556 : vector<16xf32>
      %add3A_564 = arith.constant 0x4B80AF9B : f32
      %add3A_565 = vector.broadcast %add3A_564 : f32 to vector<16xf32>
      %add3A_566 = arith.addf %mul3A_563, %add3A_565 : vector<16xf32>
      %mul3A_567 = arith.mulf %add3A_566, %bitcast_convert_type3A_556 : vector<16xf32>
      %add3A_568 = arith.constant 0xCB1120AC : f32
      %add3A_569 = vector.broadcast %add3A_568 : f32 to vector<16xf32>
      %add3A_570 = arith.addf %mul3A_567, %add3A_569 : vector<16xf32>
      %add3A_571 = arith.addf %convert_element_type3A_549, %add3A_570 : vector<16xf32>
      %sub3A_572 = arith.constant 1.000010e+00 : f32
      %sub3A_573 = vector.broadcast %sub3A_572 : f32 to vector<16xf32>
      %sub3A_574 = arith.subf %sub3A_573, %get3A_537 : vector<16xf32>
      %bitcast_convert_type3A_575 = tpu.bitcast %sub3A_574 : vector<16xf32> -> vector<16xi32>
      %convert_element_type3A_576 = arith.sitofp %bitcast_convert_type3A_575 : vector<16xi32> to vector<16xf32>
      %and3A_577 = arith.constant 8388607 : i32
      %and3A_578 = vector.broadcast %and3A_577 : i32 to vector<16xi32>
      %and3A_579 = arith.andi %bitcast_convert_type3A_575, %and3A_578 : vector<16xi32>
      %or3A_580 = arith.constant 1065353216 : i32
      %or3A_581 = vector.broadcast %or3A_580 : i32 to vector<16xi32>
      %or3A_582 = arith.ori %and3A_579, %or3A_581 : vector<16xi32>
      %bitcast_convert_type3A_583 = tpu.bitcast %or3A_582 : vector<16xi32> -> vector<16xf32>
      %mul3A_584 = arith.constant 0x499D9B38 : f32
      %mul3A_585 = vector.broadcast %mul3A_584 : f32 to vector<16xf32>
      %mul3A_586 = arith.mulf %mul3A_585, %bitcast_convert_type3A_583 : vector<16xf32>
      %add3A_587 = arith.constant 0xCB03C634 : f32
      %add3A_588 = vector.broadcast %add3A_587 : f32 to vector<16xf32>
      %add3A_589 = arith.addf %mul3A_586, %add3A_588 : vector<16xf32>
      %mul3A_590 = arith.mulf %add3A_589, %bitcast_convert_type3A_583 : vector<16xf32>
      %add3A_591 = arith.constant 0x4B80AF9B : f32
      %add3A_592 = vector.broadcast %add3A_591 : f32 to vector<16xf32>
      %add3A_593 = arith.addf %mul3A_590, %add3A_592 : vector<16xf32>
      %mul3A_594 = arith.mulf %add3A_593, %bitcast_convert_type3A_583 : vector<16xf32>
      %add3A_595 = arith.constant 0xCB1120AC : f32
      %add3A_596 = vector.broadcast %add3A_595 : f32 to vector<16xf32>
      %add3A_597 = arith.addf %mul3A_594, %add3A_596 : vector<16xf32>
      %add3A_598 = arith.addf %convert_element_type3A_576, %add3A_597 : vector<16xf32>
      %sub3A_599 = arith.subf %add3A_571, %add3A_598 : vector<16xf32>
      %mul3A_600 = arith.mulf %get3A_537, %sub3A_599 : vector<16xf32>
      %sub3A_601 = arith.constant 1.06535322E+9 : f32
      %sub3A_602 = vector.broadcast %sub3A_601 : f32 to vector<16xf32>
      %sub3A_603 = arith.subf %add3A_598, %sub3A_602 : vector<16xf32>
      %add3A_604 = arith.addf %mul3A_600, %sub3A_603 : vector<16xf32>
      %add3A_605 = arith.addf %add3A_525, %get3A_537 : vector<16xf32>
      %mul3A_606 = arith.mulf %get3A_537, %convert_element_type3A_544 : vector<16xf32>
      %add3A_607 = arith.addf %add3A_527, %mul3A_606 : vector<16xf32>
      %add3A_608 = arith.addf %add3A_528, %convert_element_type3A_544 : vector<16xf32>
      %add3A_609 = arith.addf %add3A_529, %add3A_604 : vector<16xf32>
      %mul3A_610 = arith.mulf %add3A_604, %convert_element_type3A_544 : vector<16xf32>
      %add3A_611 = arith.addf %add3A_531, %mul3A_610 : vector<16xf32>
      %get3A_612 = arith.constant 0 : i32
      %get3A_613 = arith.index_cast %get3A_612 : i32 to index
      %get3A_614 = arith.index_cast %scan3A_130 : i32 to index
      %get3A_615 = arith.constant 96 : index
      %get3A_616 = tpu.vector_load %arg5[%get3A_613, %get3A_614, %get3A_615] {strides = array<i32>} : memref<2x32x256xf32, #tpu.memory_space<vmem>>, vector<1x1x16xf32>,
      %get3A_617 = vector.shape_cast %get3A_616 : vector<1x1x16xf32> to vector<16xf32>
      %get3A_618 = arith.constant 0 : i32
      %get3A_619 = arith.index_cast %get3A_618 : i32 to index
      %get3A_620 = arith.index_cast %scan3A_130 : i32 to index
      %get3A_621 = arith.constant 96 : index
      %get3A_622 = tpu.vector_load %arg6[%get3A_619, %get3A_620, %get3A_621] {strides = array<i32>} : memref<2x32x256xi32, #tpu.memory_space<vmem>>, vector<1x1x16xi32>,
      %get3A_623 = vector.shape_cast %get3A_622 : vector<1x1x16xi32> to vector<16xi32>
      %convert_element_type3A_624 = arith.sitofp %get3A_623 : vector<16xi32> to vector<16xf32>
      %add3A_625 = arith.constant 9.99999974E-6 : f32
      %add3A_626 = vector.broadcast %add3A_625 : f32 to vector<16xf32>
      %add3A_627 = arith.addf %get3A_617, %add3A_626 : vector<16xf32>
      %bitcast_convert_type3A_628 = tpu.bitcast %add3A_627 : vector<16xf32> -> vector<16xi32>
      %convert_element_type3A_629 = arith.sitofp %bitcast_convert_type3A_628 : vector<16xi32> to vector<16xf32>
      %and3A_630 = arith.constant 8388607 : i32
      %and3A_631 = vector.broadcast %and3A_630 : i32 to vector<16xi32>
      %and3A_632 = arith.andi %bitcast_convert_type3A_628, %and3A_631 : vector<16xi32>
      %or3A_633 = arith.constant 1065353216 : i32
      %or3A_634 = vector.broadcast %or3A_633 : i32 to vector<16xi32>
      %or3A_635 = arith.ori %and3A_632, %or3A_634 : vector<16xi32>
      %bitcast_convert_type3A_636 = tpu.bitcast %or3A_635 : vector<16xi32> -> vector<16xf32>
      %mul3A_637 = arith.constant 0x499D9B38 : f32
      %mul3A_638 = vector.broadcast %mul3A_637 : f32 to vector<16xf32>
      %mul3A_639 = arith.mulf %mul3A_638, %bitcast_convert_type3A_636 : vector<16xf32>
      %add3A_640 = arith.constant 0xCB03C634 : f32
      %add3A_641 = vector.broadcast %add3A_640 : f32 to vector<16xf32>
      %add3A_642 = arith.addf %mul3A_639, %add3A_641 : vector<16xf32>
      %mul3A_643 = arith.mulf %add3A_642, %bitcast_convert_type3A_636 : vector<16xf32>
      %add3A_644 = arith.constant 0x4B80AF9B : f32
      %add3A_645 = vector.broadcast %add3A_644 : f32 to vector<16xf32>
      %add3A_646 = arith.addf %mul3A_643, %add3A_645 : vector<16xf32>
      %mul3A_647 = arith.mulf %add3A_646, %bitcast_convert_type3A_636 : vector<16xf32>
      %add3A_648 = arith.constant 0xCB1120AC : f32
      %add3A_649 = vector.broadcast %add3A_648 : f32 to vector<16xf32>
      %add3A_650 = arith.addf %mul3A_647, %add3A_649 : vector<16xf32>
      %add3A_651 = arith.addf %convert_element_type3A_629, %add3A_650 : vector<16xf32>
      %sub3A_652 = arith.constant 1.000010e+00 : f32
      %sub3A_653 = vector.broadcast %sub3A_652 : f32 to vector<16xf32>
      %sub3A_654 = arith.subf %sub3A_653, %get3A_617 : vector<16xf32>
      %bitcast_convert_type3A_655 = tpu.bitcast %sub3A_654 : vector<16xf32> -> vector<16xi32>
      %convert_element_type3A_656 = arith.sitofp %bitcast_convert_type3A_655 : vector<16xi32> to vector<16xf32>
      %and3A_657 = arith.constant 8388607 : i32
      %and3A_658 = vector.broadcast %and3A_657 : i32 to vector<16xi32>
      %and3A_659 = arith.andi %bitcast_convert_type3A_655, %and3A_658 : vector<16xi32>
      %or3A_660 = arith.constant 1065353216 : i32
      %or3A_661 = vector.broadcast %or3A_660 : i32 to vector<16xi32>
      %or3A_662 = arith.ori %and3A_659, %or3A_661 : vector<16xi32>
      %bitcast_convert_type3A_663 = tpu.bitcast %or3A_662 : vector<16xi32> -> vector<16xf32>
      %mul3A_664 = arith.constant 0x499D9B38 : f32
      %mul3A_665 = vector.broadcast %mul3A_664 : f32 to vector<16xf32>
      %mul3A_666 = arith.mulf %mul3A_665, %bitcast_convert_type3A_663 : vector<16xf32>
      %add3A_667 = arith.constant 0xCB03C634 : f32
      %add3A_668 = vector.broadcast %add3A_667 : f32 to vector<16xf32>
      %add3A_669 = arith.addf %mul3A_666, %add3A_668 : vector<16xf32>
      %mul3A_670 = arith.mulf %add3A_669, %bitcast_convert_type3A_663 : vector<16xf32>
      %add3A_671 = arith.constant 0x4B80AF9B : f32
      %add3A_672 = vector.broadcast %add3A_671 : f32 to vector<16xf32>
      %add3A_673 = arith.addf %mul3A_670, %add3A_672 : vector<16xf32>
      %mul3A_674 = arith.mulf %add3A_673, %bitcast_convert_type3A_663 : vector<16xf32>
      %add3A_675 = arith.constant 0xCB1120AC : f32
      %add3A_676 = vector.broadcast %add3A_675 : f32 to vector<16xf32>
      %add3A_677 = arith.addf %mul3A_674, %add3A_676 : vector<16xf32>
      %add3A_678 = arith.addf %convert_element_type3A_656, %add3A_677 : vector<16xf32>
      %sub3A_679 = arith.subf %add3A_651, %add3A_678 : vector<16xf32>
      %mul3A_680 = arith.mulf %get3A_617, %sub3A_679 : vector<16xf32>
      %sub3A_681 = arith.constant 1.06535322E+9 : f32
      %sub3A_682 = vector.broadcast %sub3A_681 : f32 to vector<16xf32>
      %sub3A_683 = arith.subf %add3A_678, %sub3A_682 : vector<16xf32>
      %add3A_684 = arith.addf %mul3A_680, %sub3A_683 : vector<16xf32>
      %add3A_685 = arith.addf %add3A_605, %get3A_617 : vector<16xf32>
      %mul3A_686 = arith.mulf %get3A_617, %convert_element_type3A_624 : vector<16xf32>
      %add3A_687 = arith.addf %add3A_607, %mul3A_686 : vector<16xf32>
      %add3A_688 = arith.addf %add3A_608, %convert_element_type3A_624 : vector<16xf32>
      %add3A_689 = arith.addf %add3A_609, %add3A_684 : vector<16xf32>
      %mul3A_690 = arith.mulf %add3A_684, %convert_element_type3A_624 : vector<16xf32>
      %add3A_691 = arith.addf %add3A_611, %mul3A_690 : vector<16xf32>
      %get3A_692 = arith.constant 0 : i32
      %get3A_693 = arith.index_cast %get3A_692 : i32 to index
      %get3A_694 = arith.index_cast %scan3A_130 : i32 to index
      %get3A_695 = arith.constant 112 : index
      %get3A_696 = tpu.vector_load %arg5[%get3A_693, %get3A_694, %get3A_695] {strides = array<i32>} : memref<2x32x256xf32, #tpu.memory_space<vmem>>, vector<1x1x16xf32>,
      %get3A_697 = vector.shape_cast %get3A_696 : vector<1x1x16xf32> to vector<16xf32>
      %get3A_698 = arith.constant 0 : i32
      %get3A_699 = arith.index_cast %get3A_698 : i32 to index
      %get3A_700 = arith.index_cast %scan3A_130 : i32 to index
      %get3A_701 = arith.constant 112 : index
      %get3A_702 = tpu.vector_load %arg6[%get3A_699, %get3A_700, %get3A_701] {strides = array<i32>} : memref<2x32x256xi32, #tpu.memory_space<vmem>>, vector<1x1x16xi32>,
      %get3A_703 = vector.shape_cast %get3A_702 : vector<1x1x16xi32> to vector<16xi32>
      %convert_element_type3A_704 = arith.sitofp %get3A_703 : vector<16xi32> to vector<16xf32>
      %add3A_705 = arith.constant 9.99999974E-6 : f32
      %add3A_706 = vector.broadcast %add3A_705 : f32 to vector<16xf32>
      %add3A_707 = arith.addf %get3A_697, %add3A_706 : vector<16xf32>
      %bitcast_convert_type3A_708 = tpu.bitcast %add3A_707 : vector<16xf32> -> vector<16xi32>
      %convert_element_type3A_709 = arith.sitofp %bitcast_convert_type3A_708 : vector<16xi32> to vector<16xf32>
      %and3A_710 = arith.constant 8388607 : i32
      %and3A_711 = vector.broadcast %and3A_710 : i32 to vector<16xi32>
      %and3A_712 = arith.andi %bitcast_convert_type3A_708, %and3A_711 : vector<16xi32>
      %or3A_713 = arith.constant 1065353216 : i32
      %or3A_714 = vector.broadcast %or3A_713 : i32 to vector<16xi32>
      %or3A_715 = arith.ori %and3A_712, %or3A_714 : vector<16xi32>
      %bitcast_convert_type3A_716 = tpu.bitcast %or3A_715 : vector<16xi32> -> vector<16xf32>
      %mul3A_717 = arith.constant 0x499D9B38 : f32
      %mul3A_718 = vector.broadcast %mul3A_717 : f32 to vector<16xf32>
      %mul3A_719 = arith.mulf %mul3A_718, %bitcast_convert_type3A_716 : vector<16xf32>
      %add3A_720 = arith.constant 0xCB03C634 : f32
      %add3A_721 = vector.broadcast %add3A_720 : f32 to vector<16xf32>
      %add3A_722 = arith.addf %mul3A_719, %add3A_721 : vector<16xf32>
      %mul3A_723 = arith.mulf %add3A_722, %bitcast_convert_type3A_716 : vector<16xf32>
      %add3A_724 = arith.constant 0x4B80AF9B : f32
      %add3A_725 = vector.broadcast %add3A_724 : f32 to vector<16xf32>
      %add3A_726 = arith.addf %mul3A_723, %add3A_725 : vector<16xf32>
      %mul3A_727 = arith.mulf %add3A_726, %bitcast_convert_type3A_716 : vector<16xf32>
      %add3A_728 = arith.constant 0xCB1120AC : f32
      %add3A_729 = vector.broadcast %add3A_728 : f32 to vector<16xf32>
      %add3A_730 = arith.addf %mul3A_727, %add3A_729 : vector<16xf32>
      %add3A_731 = arith.addf %convert_element_type3A_709, %add3A_730 : vector<16xf32>
      %sub3A_732 = arith.constant 1.000010e+00 : f32
      %sub3A_733 = vector.broadcast %sub3A_732 : f32 to vector<16xf32>
      %sub3A_734 = arith.subf %sub3A_733, %get3A_697 : vector<16xf32>
      %bitcast_convert_type3A_735 = tpu.bitcast %sub3A_734 : vector<16xf32> -> vector<16xi32>
      %convert_element_type3A_736 = arith.sitofp %bitcast_convert_type3A_735 : vector<16xi32> to vector<16xf32>
      %and3A_737 = arith.constant 8388607 : i32
      %and3A_738 = vector.broadcast %and3A_737 : i32 to vector<16xi32>
      %and3A_739 = arith.andi %bitcast_convert_type3A_735, %and3A_738 : vector<16xi32>
      %or3A_740 = arith.constant 1065353216 : i32
      %or3A_741 = vector.broadcast %or3A_740 : i32 to vector<16xi32>
      %or3A_742 = arith.ori %and3A_739, %or3A_741 : vector<16xi32>
      %bitcast_convert_type3A_743 = tpu.bitcast %or3A_742 : vector<16xi32> -> vector<16xf32>
      %mul3A_744 = arith.constant 0x499D9B38 : f32
      %mul3A_745 = vector.broadcast %mul3A_744 : f32 to vector<16xf32>
      %mul3A_746 = arith.mulf %mul3A_745, %bitcast_convert_type3A_743 : vector<16xf32>
      %add3A_747 = arith.constant 0xCB03C634 : f32
      %add3A_748 = vector.broadcast %add3A_747 : f32 to vector<16xf32>
      %add3A_749 = arith.addf %mul3A_746, %add3A_748 : vector<16xf32>
      %mul3A_750 = arith.mulf %add3A_749, %bitcast_convert_type3A_743 : vector<16xf32>
      %add3A_751 = arith.constant 0x4B80AF9B : f32
      %add3A_752 = vector.broadcast %add3A_751 : f32 to vector<16xf32>
      %add3A_753 = arith.addf %mul3A_750, %add3A_752 : vector<16xf32>
      %mul3A_754 = arith.mulf %add3A_753, %bitcast_convert_type3A_743 : vector<16xf32>
      %add3A_755 = arith.constant 0xCB1120AC : f32
      %add3A_756 = vector.broadcast %add3A_755 : f32 to vector<16xf32>
      %add3A_757 = arith.addf %mul3A_754, %add3A_756 : vector<16xf32>
      %add3A_758 = arith.addf %convert_element_type3A_736, %add3A_757 : vector<16xf32>
      %sub3A_759 = arith.subf %add3A_731, %add3A_758 : vector<16xf32>
      %mul3A_760 = arith.mulf %get3A_697, %sub3A_759 : vector<16xf32>
      %sub3A_761 = arith.constant 1.06535322E+9 : f32
      %sub3A_762 = vector.broadcast %sub3A_761 : f32 to vector<16xf32>
      %sub3A_763 = arith.subf %add3A_758, %sub3A_762 : vector<16xf32>
      %add3A_764 = arith.addf %mul3A_760, %sub3A_763 : vector<16xf32>
      %add3A_765 = arith.addf %add3A_685, %get3A_697 : vector<16xf32>
      %mul3A_766 = arith.mulf %get3A_697, %convert_element_type3A_704 : vector<16xf32>
      %add3A_767 = arith.addf %add3A_687, %mul3A_766 : vector<16xf32>
      %add3A_768 = arith.addf %add3A_688, %convert_element_type3A_704 : vector<16xf32>
      %add3A_769 = arith.addf %add3A_689, %add3A_764 : vector<16xf32>
      %mul3A_770 = arith.mulf %add3A_764, %convert_element_type3A_704 : vector<16xf32>
      %add3A_771 = arith.addf %add3A_691, %mul3A_770 : vector<16xf32>
      %get3A_772 = arith.constant 0 : i32
      %get3A_773 = arith.index_cast %get3A_772 : i32 to index
      %get3A_774 = arith.index_cast %scan3A_130 : i32 to index
      %get3A_775 = arith.constant 128 : index
      %get3A_776 = tpu.vector_load %arg5[%get3A_773, %get3A_774, %get3A_775] {strides = array<i32>} : memref<2x32x256xf32, #tpu.memory_space<vmem>>, vector<1x1x16xf32>,
      %get3A_777 = vector.shape_cast %get3A_776 : vector<1x1x16xf32> to vector<16xf32>
      %get3A_778 = arith.constant 0 : i32
      %get3A_779 = arith.index_cast %get3A_778 : i32 to index
      %get3A_780 = arith.index_cast %scan3A_130 : i32 to index
      %get3A_781 = arith.constant 128 : index
      %get3A_782 = tpu.vector_load %arg6[%get3A_779, %get3A_780, %get3A_781] {strides = array<i32>} : memref<2x32x256xi32, #tpu.memory_space<vmem>>, vector<1x1x16xi32>,
      %get3A_783 = vector.shape_cast %get3A_782 : vector<1x1x16xi32> to vector<16xi32>
      %convert_element_type3A_784 = arith.sitofp %get3A_783 : vector<16xi32> to vector<16xf32>
      %add3A_785 = arith.constant 9.99999974E-6 : f32
      %add3A_786 = vector.broadcast %add3A_785 : f32 to vector<16xf32>
      %add3A_787 = arith.addf %get3A_777, %add3A_786 : vector<16xf32>
      %bitcast_convert_type3A_788 = tpu.bitcast %add3A_787 : vector<16xf32> -> vector<16xi32>
      %convert_element_type3A_789 = arith.sitofp %bitcast_convert_type3A_788 : vector<16xi32> to vector<16xf32>
      %and3A_790 = arith.constant 8388607 : i32
      %and3A_791 = vector.broadcast %and3A_790 : i32 to vector<16xi32>
      %and3A_792 = arith.andi %bitcast_convert_type3A_788, %and3A_791 : vector<16xi32>
      %or3A_793 = arith.constant 1065353216 : i32
      %or3A_794 = vector.broadcast %or3A_793 : i32 to vector<16xi32>
      %or3A_795 = arith.ori %and3A_792, %or3A_794 : vector<16xi32>
      %bitcast_convert_type3A_796 = tpu.bitcast %or3A_795 : vector<16xi32> -> vector<16xf32>
      %mul3A_797 = arith.constant 0x499D9B38 : f32
      %mul3A_798 = vector.broadcast %mul3A_797 : f32 to vector<16xf32>
      %mul3A_799 = arith.mulf %mul3A_798, %bitcast_convert_type3A_796 : vector<16xf32>
      %add3A_800 = arith.constant 0xCB03C634 : f32
      %add3A_801 = vector.broadcast %add3A_800 : f32 to vector<16xf32>
      %add3A_802 = arith.addf %mul3A_799, %add3A_801 : vector<16xf32>
      %mul3A_803 = arith.mulf %add3A_802, %bitcast_convert_type3A_796 : vector<16xf32>
      %add3A_804 = arith.constant 0x4B80AF9B : f32
      %add3A_805 = vector.broadcast %add3A_804 : f32 to vector<16xf32>
      %add3A_806 = arith.addf %mul3A_803, %add3A_805 : vector<16xf32>
      %mul3A_807 = arith.mulf %add3A_806, %bitcast_convert_type3A_796 : vector<16xf32>
      %add3A_808 = arith.constant 0xCB1120AC : f32
      %add3A_809 = vector.broadcast %add3A_808 : f32 to vector<16xf32>
      %add3A_810 = arith.addf %mul3A_807, %add3A_809 : vector<16xf32>
      %add3A_811 = arith.addf %convert_element_type3A_789, %add3A_810 : vector<16xf32>
      %sub3A_812 = arith.constant 1.000010e+00 : f32
      %sub3A_813 = vector.broadcast %sub3A_812 : f32 to vector<16xf32>
      %sub3A_814 = arith.subf %sub3A_813, %get3A_777 : vector<16xf32>
      %bitcast_convert_type3A_815 = tpu.bitcast %sub3A_814 : vector<16xf32> -> vector<16xi32>
      %convert_element_type3A_816 = arith.sitofp %bitcast_convert_type3A_815 : vector<16xi32> to vector<16xf32>
      %and3A_817 = arith.constant 8388607 : i32
      %and3A_818 = vector.broadcast %and3A_817 : i32 to vector<16xi32>
      %and3A_819 = arith.andi %bitcast_convert_type3A_815, %and3A_818 : vector<16xi32>
      %or3A_820 = arith.constant 1065353216 : i32
      %or3A_821 = vector.broadcast %or3A_820 : i32 to vector<16xi32>
      %or3A_822 = arith.ori %and3A_819, %or3A_821 : vector<16xi32>
      %bitcast_convert_type3A_823 = tpu.bitcast %or3A_822 : vector<16xi32> -> vector<16xf32>
      %mul3A_824 = arith.constant 0x499D9B38 : f32
      %mul3A_825 = vector.broadcast %mul3A_824 : f32 to vector<16xf32>
      %mul3A_826 = arith.mulf %mul3A_825, %bitcast_convert_type3A_823 : vector<16xf32>
      %add3A_827 = arith.constant 0xCB03C634 : f32
      %add3A_828 = vector.broadcast %add3A_827 : f32 to vector<16xf32>
      %add3A_829 = arith.addf %mul3A_826, %add3A_828 : vector<16xf32>
      %mul3A_830 = arith.mulf %add3A_829, %bitcast_convert_type3A_823 : vector<16xf32>
      %add3A_831 = arith.constant 0x4B80AF9B : f32
      %add3A_832 = vector.broadcast %add3A_831 : f32 to vector<16xf32>
      %add3A_833 = arith.addf %mul3A_830, %add3A_832 : vector<16xf32>
      %mul3A_834 = arith.mulf %add3A_833, %bitcast_convert_type3A_823 : vector<16xf32>
      %add3A_835 = arith.constant 0xCB1120AC : f32
      %add3A_836 = vector.broadcast %add3A_835 : f32 to vector<16xf32>
      %add3A_837 = arith.addf %mul3A_834, %add3A_836 : vector<16xf32>
      %add3A_838 = arith.addf %convert_element_type3A_816, %add3A_837 : vector<16xf32>
      %sub3A_839 = arith.subf %add3A_811, %add3A_838 : vector<16xf32>
      %mul3A_840 = arith.mulf %get3A_777, %sub3A_839 : vector<16xf32>
      %sub3A_841 = arith.constant 1.06535322E+9 : f32
      %sub3A_842 = vector.broadcast %sub3A_841 : f32 to vector<16xf32>
      %sub3A_843 = arith.subf %add3A_838, %sub3A_842 : vector<16xf32>
      %add3A_844 = arith.addf %mul3A_840, %sub3A_843 : vector<16xf32>
      %add3A_845 = arith.addf %add3A_765, %get3A_777 : vector<16xf32>
      %mul3A_846 = arith.mulf %get3A_777, %convert_element_type3A_784 : vector<16xf32>
      %add3A_847 = arith.addf %add3A_767, %mul3A_846 : vector<16xf32>
      %add3A_848 = arith.addf %add3A_768, %convert_element_type3A_784 : vector<16xf32>
      %add3A_849 = arith.addf %add3A_769, %add3A_844 : vector<16xf32>
      %mul3A_850 = arith.mulf %add3A_844, %convert_element_type3A_784 : vector<16xf32>
      %add3A_851 = arith.addf %add3A_771, %mul3A_850 : vector<16xf32>
      %get3A_852 = arith.constant 0 : i32
      %get3A_853 = arith.index_cast %get3A_852 : i32 to index
      %get3A_854 = arith.index_cast %scan3A_130 : i32 to index
      %get3A_855 = arith.constant 144 : index
      %get3A_856 = tpu.vector_load %arg5[%get3A_853, %get3A_854, %get3A_855] {strides = array<i32>} : memref<2x32x256xf32, #tpu.memory_space<vmem>>, vector<1x1x16xf32>,
      %get3A_857 = vector.shape_cast %get3A_856 : vector<1x1x16xf32> to vector<16xf32>
      %get3A_858 = arith.constant 0 : i32
      %get3A_859 = arith.index_cast %get3A_858 : i32 to index
      %get3A_860 = arith.index_cast %scan3A_130 : i32 to index
      %get3A_861 = arith.constant 144 : index
      %get3A_862 = tpu.vector_load %arg6[%get3A_859, %get3A_860, %get3A_861] {strides = array<i32>} : memref<2x32x256xi32, #tpu.memory_space<vmem>>, vector<1x1x16xi32>,
      %get3A_863 = vector.shape_cast %get3A_862 : vector<1x1x16xi32> to vector<16xi32>
      %convert_element_type3A_864 = arith.sitofp %get3A_863 : vector<16xi32> to vector<16xf32>
      %add3A_865 = arith.constant 9.99999974E-6 : f32
      %add3A_866 = vector.broadcast %add3A_865 : f32 to vector<16xf32>
      %add3A_867 = arith.addf %get3A_857, %add3A_866 : vector<16xf32>
      %bitcast_convert_type3A_868 = tpu.bitcast %add3A_867 : vector<16xf32> -> vector<16xi32>
      %convert_element_type3A_869 = arith.sitofp %bitcast_convert_type3A_868 : vector<16xi32> to vector<16xf32>
      %and3A_870 = arith.constant 8388607 : i32
      %and3A_871 = vector.broadcast %and3A_870 : i32 to vector<16xi32>
      %and3A_872 = arith.andi %bitcast_convert_type3A_868, %and3A_871 : vector<16xi32>
      %or3A_873 = arith.constant 1065353216 : i32
      %or3A_874 = vector.broadcast %or3A_873 : i32 to vector<16xi32>
      %or3A_875 = arith.ori %and3A_872, %or3A_874 : vector<16xi32>
      %bitcast_convert_type3A_876 = tpu.bitcast %or3A_875 : vector<16xi32> -> vector<16xf32>
      %mul3A_877 = arith.constant 0x499D9B38 : f32
      %mul3A_878 = vector.broadcast %mul3A_877 : f32 to vector<16xf32>
      %mul3A_879 = arith.mulf %mul3A_878, %bitcast_convert_type3A_876 : vector<16xf32>
      %add3A_880 = arith.constant 0xCB03C634 : f32
      %add3A_881 = vector.broadcast %add3A_880 : f32 to vector<16xf32>
      %add3A_882 = arith.addf %mul3A_879, %add3A_881 : vector<16xf32>
      %mul3A_883 = arith.mulf %add3A_882, %bitcast_convert_type3A_876 : vector<16xf32>
      %add3A_884 = arith.constant 0x4B80AF9B : f32
      %add3A_885 = vector.broadcast %add3A_884 : f32 to vector<16xf32>
      %add3A_886 = arith.addf %mul3A_883, %add3A_885 : vector<16xf32>
      %mul3A_887 = arith.mulf %add3A_886, %bitcast_convert_type3A_876 : vector<16xf32>
      %add3A_888 = arith.constant 0xCB1120AC : f32
      %add3A_889 = vector.broadcast %add3A_888 : f32 to vector<16xf32>
      %add3A_890 = arith.addf %mul3A_887, %add3A_889 : vector<16xf32>
      %add3A_891 = arith.addf %convert_element_type3A_869, %add3A_890 : vector<16xf32>
      %sub3A_892 = arith.constant 1.000010e+00 : f32
      %sub3A_893 = vector.broadcast %sub3A_892 : f32 to vector<16xf32>
      %sub3A_894 = arith.subf %sub3A_893, %get3A_857 : vector<16xf32>
      %bitcast_convert_type3A_895 = tpu.bitcast %sub3A_894 : vector<16xf32> -> vector<16xi32>
      %convert_element_type3A_896 = arith.sitofp %bitcast_convert_type3A_895 : vector<16xi32> to vector<16xf32>
      %and3A_897 = arith.constant 8388607 : i32
      %and3A_898 = vector.broadcast %and3A_897 : i32 to vector<16xi32>
      %and3A_899 = arith.andi %bitcast_convert_type3A_895, %and3A_898 : vector<16xi32>
      %or3A_900 = arith.constant 1065353216 : i32
      %or3A_901 = vector.broadcast %or3A_900 : i32 to vector<16xi32>
      %or3A_902 = arith.ori %and3A_899, %or3A_901 : vector<16xi32>
      %bitcast_convert_type3A_903 = tpu.bitcast %or3A_902 : vector<16xi32> -> vector<16xf32>
      %mul3A_904 = arith.constant 0x499D9B38 : f32
      %mul3A_905 = vector.broadcast %mul3A_904 : f32 to vector<16xf32>
      %mul3A_906 = arith.mulf %mul3A_905, %bitcast_convert_type3A_903 : vector<16xf32>
      %add3A_907 = arith.constant 0xCB03C634 : f32
      %add3A_908 = vector.broadcast %add3A_907 : f32 to vector<16xf32>
      %add3A_909 = arith.addf %mul3A_906, %add3A_908 : vector<16xf32>
      %mul3A_910 = arith.mulf %add3A_909, %bitcast_convert_type3A_903 : vector<16xf32>
      %add3A_911 = arith.constant 0x4B80AF9B : f32
      %add3A_912 = vector.broadcast %add3A_911 : f32 to vector<16xf32>
      %add3A_913 = arith.addf %mul3A_910, %add3A_912 : vector<16xf32>
      %mul3A_914 = arith.mulf %add3A_913, %bitcast_convert_type3A_903 : vector<16xf32>
      %add3A_915 = arith.constant 0xCB1120AC : f32
      %add3A_916 = vector.broadcast %add3A_915 : f32 to vector<16xf32>
      %add3A_917 = arith.addf %mul3A_914, %add3A_916 : vector<16xf32>
      %add3A_918 = arith.addf %convert_element_type3A_896, %add3A_917 : vector<16xf32>
      %sub3A_919 = arith.subf %add3A_891, %add3A_918 : vector<16xf32>
      %mul3A_920 = arith.mulf %get3A_857, %sub3A_919 : vector<16xf32>
      %sub3A_921 = arith.constant 1.06535322E+9 : f32
      %sub3A_922 = vector.broadcast %sub3A_921 : f32 to vector<16xf32>
      %sub3A_923 = arith.subf %add3A_918, %sub3A_922 : vector<16xf32>
      %add3A_924 = arith.addf %mul3A_920, %sub3A_923 : vector<16xf32>
      %add3A_925 = arith.addf %add3A_845, %get3A_857 : vector<16xf32>
      %mul3A_926 = arith.mulf %get3A_857, %convert_element_type3A_864 : vector<16xf32>
      %add3A_927 = arith.addf %add3A_847, %mul3A_926 : vector<16xf32>
      %add3A_928 = arith.addf %add3A_848, %convert_element_type3A_864 : vector<16xf32>
      %add3A_929 = arith.addf %add3A_849, %add3A_924 : vector<16xf32>
      %mul3A_930 = arith.mulf %add3A_924, %convert_element_type3A_864 : vector<16xf32>
      %add3A_931 = arith.addf %add3A_851, %mul3A_930 : vector<16xf32>
      %get3A_932 = arith.constant 0 : i32
      %get3A_933 = arith.index_cast %get3A_932 : i32 to index
      %get3A_934 = arith.index_cast %scan3A_130 : i32 to index
      %get3A_935 = arith.constant 160 : index
      %get3A_936 = tpu.vector_load %arg5[%get3A_933, %get3A_934, %get3A_935] {strides = array<i32>} : memref<2x32x256xf32, #tpu.memory_space<vmem>>, vector<1x1x16xf32>,
      %get3A_937 = vector.shape_cast %get3A_936 : vector<1x1x16xf32> to vector<16xf32>
      %get3A_938 = arith.constant 0 : i32
      %get3A_939 = arith.index_cast %get3A_938 : i32 to index
      %get3A_940 = arith.index_cast %scan3A_130 : i32 to index
      %get3A_941 = arith.constant 160 : index
      %get3A_942 = tpu.vector_load %arg6[%get3A_939, %get3A_940, %get3A_941] {strides = array<i32>} : memref<2x32x256xi32, #tpu.memory_space<vmem>>, vector<1x1x16xi32>,
      %get3A_943 = vector.shape_cast %get3A_942 : vector<1x1x16xi32> to vector<16xi32>
      %convert_element_type3A_944 = arith.sitofp %get3A_943 : vector<16xi32> to vector<16xf32>
      %add3A_945 = arith.constant 9.99999974E-6 : f32
      %add3A_946 = vector.broadcast %add3A_945 : f32 to vector<16xf32>
      %add3A_947 = arith.addf %get3A_937, %add3A_946 : vector<16xf32>
      %bitcast_convert_type3A_948 = tpu.bitcast %add3A_947 : vector<16xf32> -> vector<16xi32>
      %convert_element_type3A_949 = arith.sitofp %bitcast_convert_type3A_948 : vector<16xi32> to vector<16xf32>
      %and3A_950 = arith.constant 8388607 : i32
      %and3A_951 = vector.broadcast %and3A_950 : i32 to vector<16xi32>
      %and3A_952 = arith.andi %bitcast_convert_type3A_948, %and3A_951 : vector<16xi32>
      %or3A_953 = arith.constant 1065353216 : i32
      %or3A_954 = vector.broadcast %or3A_953 : i32 to vector<16xi32>
      %or3A_955 = arith.ori %and3A_952, %or3A_954 : vector<16xi32>
      %bitcast_convert_type3A_956 = tpu.bitcast %or3A_955 : vector<16xi32> -> vector<16xf32>
      %mul3A_957 = arith.constant 0x499D9B38 : f32
      %mul3A_958 = vector.broadcast %mul3A_957 : f32 to vector<16xf32>
      %mul3A_959 = arith.mulf %mul3A_958, %bitcast_convert_type3A_956 : vector<16xf32>
      %add3A_960 = arith.constant 0xCB03C634 : f32
      %add3A_961 = vector.broadcast %add3A_960 : f32 to vector<16xf32>
      %add3A_962 = arith.addf %mul3A_959, %add3A_961 : vector<16xf32>
      %mul3A_963 = arith.mulf %add3A_962, %bitcast_convert_type3A_956 : vector<16xf32>
      %add3A_964 = arith.constant 0x4B80AF9B : f32
      %add3A_965 = vector.broadcast %add3A_964 : f32 to vector<16xf32>
      %add3A_966 = arith.addf %mul3A_963, %add3A_965 : vector<16xf32>
      %mul3A_967 = arith.mulf %add3A_966, %bitcast_convert_type3A_956 : vector<16xf32>
      %add3A_968 = arith.constant 0xCB1120AC : f32
      %add3A_969 = vector.broadcast %add3A_968 : f32 to vector<16xf32>
      %add3A_970 = arith.addf %mul3A_967, %add3A_969 : vector<16xf32>
      %add3A_971 = arith.addf %convert_element_type3A_949, %add3A_970 : vector<16xf32>
      %sub3A_972 = arith.constant 1.000010e+00 : f32
      %sub3A_973 = vector.broadcast %sub3A_972 : f32 to vector<16xf32>
      %sub3A_974 = arith.subf %sub3A_973, %get3A_937 : vector<16xf32>
      %bitcast_convert_type3A_975 = tpu.bitcast %sub3A_974 : vector<16xf32> -> vector<16xi32>
      %convert_element_type3A_976 = arith.sitofp %bitcast_convert_type3A_975 : vector<16xi32> to vector<16xf32>
      %and3A_977 = arith.constant 8388607 : i32
      %and3A_978 = vector.broadcast %and3A_977 : i32 to vector<16xi32>
      %and3A_979 = arith.andi %bitcast_convert_type3A_975, %and3A_978 : vector<16xi32>
      %or3A_980 = arith.constant 1065353216 : i32
      %or3A_981 = vector.broadcast %or3A_980 : i32 to vector<16xi32>
      %or3A_982 = arith.ori %and3A_979, %or3A_981 : vector<16xi32>
      %bitcast_convert_type3A_983 = tpu.bitcast %or3A_982 : vector<16xi32> -> vector<16xf32>
      %mul3A_984 = arith.constant 0x499D9B38 : f32
      %mul3A_985 = vector.broadcast %mul3A_984 : f32 to vector<16xf32>
      %mul3A_986 = arith.mulf %mul3A_985, %bitcast_convert_type3A_983 : vector<16xf32>
      %add3A_987 = arith.constant 0xCB03C634 : f32
      %add3A_988 = vector.broadcast %add3A_987 : f32 to vector<16xf32>
      %add3A_989 = arith.addf %mul3A_986, %add3A_988 : vector<16xf32>
      %mul3A_990 = arith.mulf %add3A_989, %bitcast_convert_type3A_983 : vector<16xf32>
      %add3A_991 = arith.constant 0x4B80AF9B : f32
      %add3A_992 = vector.broadcast %add3A_991 : f32 to vector<16xf32>
      %add3A_993 = arith.addf %mul3A_990, %add3A_992 : vector<16xf32>
      %mul3A_994 = arith.mulf %add3A_993, %bitcast_convert_type3A_983 : vector<16xf32>
      %add3A_995 = arith.constant 0xCB1120AC : f32
      %add3A_996 = vector.broadcast %add3A_995 : f32 to vector<16xf32>
      %add3A_997 = arith.addf %mul3A_994, %add3A_996 : vector<16xf32>
      %add3A_998 = arith.addf %convert_element_type3A_976, %add3A_997 : vector<16xf32>
      %sub3A_999 = arith.subf %add3A_971, %add3A_998 : vector<16xf32>
      %mul3A_1000 = arith.mulf %get3A_937, %sub3A_999 : vector<16xf32>
      %sub3A_1001 = arith.constant 1.06535322E+9 : f32
      %sub3A_1002 = vector.broadcast %sub3A_1001 : f32 to vector<16xf32>
      %sub3A_1003 = arith.subf %add3A_998, %sub3A_1002 : vector<16xf32>
      %add3A_1004 = arith.addf %mul3A_1000, %sub3A_1003 : vector<16xf32>
      %add3A_1005 = arith.addf %add3A_925, %get3A_937 : vector<16xf32>
      %mul3A_1006 = arith.mulf %get3A_937, %convert_element_type3A_944 : vector<16xf32>
      %add3A_1007 = arith.addf %add3A_927, %mul3A_1006 : vector<16xf32>
      %add3A_1008 = arith.addf %add3A_928, %convert_element_type3A_944 : vector<16xf32>
      %add3A_1009 = arith.addf %add3A_929, %add3A_1004 : vector<16xf32>
      %mul3A_1010 = arith.mulf %add3A_1004, %convert_element_type3A_944 : vector<16xf32>
      %add3A_1011 = arith.addf %add3A_931, %mul3A_1010 : vector<16xf32>
      %get3A_1012 = arith.constant 0 : i32
      %get3A_1013 = arith.index_cast %get3A_1012 : i32 to index
      %get3A_1014 = arith.index_cast %scan3A_130 : i32 to index
      %get3A_1015 = arith.constant 176 : index
      %get3A_1016 = tpu.vector_load %arg5[%get3A_1013, %get3A_1014, %get3A_1015] {strides = array<i32>} : memref<2x32x256xf32, #tpu.memory_space<vmem>>, vector<1x1x16xf32>,
      %get3A_1017 = vector.shape_cast %get3A_1016 : vector<1x1x16xf32> to vector<16xf32>
      %get3A_1018 = arith.constant 0 : i32
      %get3A_1019 = arith.index_cast %get3A_1018 : i32 to index
      %get3A_1020 = arith.index_cast %scan3A_130 : i32 to index
      %get3A_1021 = arith.constant 176 : index
      %get3A_1022 = tpu.vector_load %arg6[%get3A_1019, %get3A_1020, %get3A_1021] {strides = array<i32>} : memref<2x32x256xi32, #tpu.memory_space<vmem>>, vector<1x1x16xi32>,
      %get3A_1023 = vector.shape_cast %get3A_1022 : vector<1x1x16xi32> to vector<16xi32>
      %convert_element_type3A_1024 = arith.sitofp %get3A_1023 : vector<16xi32> to vector<16xf32>
      %add3A_1025 = arith.constant 9.99999974E-6 : f32
      %add3A_1026 = vector.broadcast %add3A_1025 : f32 to vector<16xf32>
      %add3A_1027 = arith.addf %get3A_1017, %add3A_1026 : vector<16xf32>
      %bitcast_convert_type3A_1028 = tpu.bitcast %add3A_1027 : vector<16xf32> -> vector<16xi32>
      %convert_element_type3A_1029 = arith.sitofp %bitcast_convert_type3A_1028 : vector<16xi32> to vector<16xf32>
      %and3A_1030 = arith.constant 8388607 : i32
      %and3A_1031 = vector.broadcast %and3A_1030 : i32 to vector<16xi32>
      %and3A_1032 = arith.andi %bitcast_convert_type3A_1028, %and3A_1031 : vector<16xi32>
      %or3A_1033 = arith.constant 1065353216 : i32
      %or3A_1034 = vector.broadcast %or3A_1033 : i32 to vector<16xi32>
      %or3A_1035 = arith.ori %and3A_1032, %or3A_1034 : vector<16xi32>
      %bitcast_convert_type3A_1036 = tpu.bitcast %or3A_1035 : vector<16xi32> -> vector<16xf32>
      %mul3A_1037 = arith.constant 0x499D9B38 : f32
      %mul3A_1038 = vector.broadcast %mul3A_1037 : f32 to vector<16xf32>
      %mul3A_1039 = arith.mulf %mul3A_1038, %bitcast_convert_type3A_1036 : vector<16xf32>
      %add3A_1040 = arith.constant 0xCB03C634 : f32
      %add3A_1041 = vector.broadcast %add3A_1040 : f32 to vector<16xf32>
      %add3A_1042 = arith.addf %mul3A_1039, %add3A_1041 : vector<16xf32>
      %mul3A_1043 = arith.mulf %add3A_1042, %bitcast_convert_type3A_1036 : vector<16xf32>
      %add3A_1044 = arith.constant 0x4B80AF9B : f32
      %add3A_1045 = vector.broadcast %add3A_1044 : f32 to vector<16xf32>
      %add3A_1046 = arith.addf %mul3A_1043, %add3A_1045 : vector<16xf32>
      %mul3A_1047 = arith.mulf %add3A_1046, %bitcast_convert_type3A_1036 : vector<16xf32>
      %add3A_1048 = arith.constant 0xCB1120AC : f32
      %add3A_1049 = vector.broadcast %add3A_1048 : f32 to vector<16xf32>
      %add3A_1050 = arith.addf %mul3A_1047, %add3A_1049 : vector<16xf32>
      %add3A_1051 = arith.addf %convert_element_type3A_1029, %add3A_1050 : vector<16xf32>
      %sub3A_1052 = arith.constant 1.000010e+00 : f32
      %sub3A_1053 = vector.broadcast %sub3A_1052 : f32 to vector<16xf32>
      %sub3A_1054 = arith.subf %sub3A_1053, %get3A_1017 : vector<16xf32>
      %bitcast_convert_type3A_1055 = tpu.bitcast %sub3A_1054 : vector<16xf32> -> vector<16xi32>
      %convert_element_type3A_1056 = arith.sitofp %bitcast_convert_type3A_1055 : vector<16xi32> to vector<16xf32>
      %and3A_1057 = arith.constant 8388607 : i32
      %and3A_1058 = vector.broadcast %and3A_1057 : i32 to vector<16xi32>
      %and3A_1059 = arith.andi %bitcast_convert_type3A_1055, %and3A_1058 : vector<16xi32>
      %or3A_1060 = arith.constant 1065353216 : i32
      %or3A_1061 = vector.broadcast %or3A_1060 : i32 to vector<16xi32>
      %or3A_1062 = arith.ori %and3A_1059, %or3A_1061 : vector<16xi32>
      %bitcast_convert_type3A_1063 = tpu.bitcast %or3A_1062 : vector<16xi32> -> vector<16xf32>
      %mul3A_1064 = arith.constant 0x499D9B38 : f32
      %mul3A_1065 = vector.broadcast %mul3A_1064 : f32 to vector<16xf32>
      %mul3A_1066 = arith.mulf %mul3A_1065, %bitcast_convert_type3A_1063 : vector<16xf32>
      %add3A_1067 = arith.constant 0xCB03C634 : f32
      %add3A_1068 = vector.broadcast %add3A_1067 : f32 to vector<16xf32>
      %add3A_1069 = arith.addf %mul3A_1066, %add3A_1068 : vector<16xf32>
      %mul3A_1070 = arith.mulf %add3A_1069, %bitcast_convert_type3A_1063 : vector<16xf32>
      %add3A_1071 = arith.constant 0x4B80AF9B : f32
      %add3A_1072 = vector.broadcast %add3A_1071 : f32 to vector<16xf32>
      %add3A_1073 = arith.addf %mul3A_1070, %add3A_1072 : vector<16xf32>
      %mul3A_1074 = arith.mulf %add3A_1073, %bitcast_convert_type3A_1063 : vector<16xf32>
      %add3A_1075 = arith.constant 0xCB1120AC : f32
      %add3A_1076 = vector.broadcast %add3A_1075 : f32 to vector<16xf32>
      %add3A_1077 = arith.addf %mul3A_1074, %add3A_1076 : vector<16xf32>
      %add3A_1078 = arith.addf %convert_element_type3A_1056, %add3A_1077 : vector<16xf32>
      %sub3A_1079 = arith.subf %add3A_1051, %add3A_1078 : vector<16xf32>
      %mul3A_1080 = arith.mulf %get3A_1017, %sub3A_1079 : vector<16xf32>
      %sub3A_1081 = arith.constant 1.06535322E+9 : f32
      %sub3A_1082 = vector.broadcast %sub3A_1081 : f32 to vector<16xf32>
      %sub3A_1083 = arith.subf %add3A_1078, %sub3A_1082 : vector<16xf32>
      %add3A_1084 = arith.addf %mul3A_1080, %sub3A_1083 : vector<16xf32>
      %add3A_1085 = arith.addf %add3A_1005, %get3A_1017 : vector<16xf32>
      %mul3A_1086 = arith.mulf %get3A_1017, %convert_element_type3A_1024 : vector<16xf32>
      %add3A_1087 = arith.addf %add3A_1007, %mul3A_1086 : vector<16xf32>
      %add3A_1088 = arith.addf %add3A_1008, %convert_element_type3A_1024 : vector<16xf32>
      %add3A_1089 = arith.addf %add3A_1009, %add3A_1084 : vector<16xf32>
      %mul3A_1090 = arith.mulf %add3A_1084, %convert_element_type3A_1024 : vector<16xf32>
      %add3A_1091 = arith.addf %add3A_1011, %mul3A_1090 : vector<16xf32>
      %get3A_1092 = arith.constant 0 : i32
      %get3A_1093 = arith.index_cast %get3A_1092 : i32 to index
      %get3A_1094 = arith.index_cast %scan3A_130 : i32 to index
      %get3A_1095 = arith.constant 192 : index
      %get3A_1096 = tpu.vector_load %arg5[%get3A_1093, %get3A_1094, %get3A_1095] {strides = array<i32>} : memref<2x32x256xf32, #tpu.memory_space<vmem>>, vector<1x1x16xf32>,
      %get3A_1097 = vector.shape_cast %get3A_1096 : vector<1x1x16xf32> to vector<16xf32>
      %get3A_1098 = arith.constant 0 : i32
      %get3A_1099 = arith.index_cast %get3A_1098 : i32 to index
      %get3A_1100 = arith.index_cast %scan3A_130 : i32 to index
      %get3A_1101 = arith.constant 192 : index
      %get3A_1102 = tpu.vector_load %arg6[%get3A_1099, %get3A_1100, %get3A_1101] {strides = array<i32>} : memref<2x32x256xi32, #tpu.memory_space<vmem>>, vector<1x1x16xi32>,
      %get3A_1103 = vector.shape_cast %get3A_1102 : vector<1x1x16xi32> to vector<16xi32>
      %convert_element_type3A_1104 = arith.sitofp %get3A_1103 : vector<16xi32> to vector<16xf32>
      %add3A_1105 = arith.constant 9.99999974E-6 : f32
      %add3A_1106 = vector.broadcast %add3A_1105 : f32 to vector<16xf32>
      %add3A_1107 = arith.addf %get3A_1097, %add3A_1106 : vector<16xf32>
      %bitcast_convert_type3A_1108 = tpu.bitcast %add3A_1107 : vector<16xf32> -> vector<16xi32>
      %convert_element_type3A_1109 = arith.sitofp %bitcast_convert_type3A_1108 : vector<16xi32> to vector<16xf32>
      %and3A_1110 = arith.constant 8388607 : i32
      %and3A_1111 = vector.broadcast %and3A_1110 : i32 to vector<16xi32>
      %and3A_1112 = arith.andi %bitcast_convert_type3A_1108, %and3A_1111 : vector<16xi32>
      %or3A_1113 = arith.constant 1065353216 : i32
      %or3A_1114 = vector.broadcast %or3A_1113 : i32 to vector<16xi32>
      %or3A_1115 = arith.ori %and3A_1112, %or3A_1114 : vector<16xi32>
      %bitcast_convert_type3A_1116 = tpu.bitcast %or3A_1115 : vector<16xi32> -> vector<16xf32>
      %mul3A_1117 = arith.constant 0x499D9B38 : f32
      %mul3A_1118 = vector.broadcast %mul3A_1117 : f32 to vector<16xf32>
      %mul3A_1119 = arith.mulf %mul3A_1118, %bitcast_convert_type3A_1116 : vector<16xf32>
      %add3A_1120 = arith.constant 0xCB03C634 : f32
      %add3A_1121 = vector.broadcast %add3A_1120 : f32 to vector<16xf32>
      %add3A_1122 = arith.addf %mul3A_1119, %add3A_1121 : vector<16xf32>
      %mul3A_1123 = arith.mulf %add3A_1122, %bitcast_convert_type3A_1116 : vector<16xf32>
      %add3A_1124 = arith.constant 0x4B80AF9B : f32
      %add3A_1125 = vector.broadcast %add3A_1124 : f32 to vector<16xf32>
      %add3A_1126 = arith.addf %mul3A_1123, %add3A_1125 : vector<16xf32>
      %mul3A_1127 = arith.mulf %add3A_1126, %bitcast_convert_type3A_1116 : vector<16xf32>
      %add3A_1128 = arith.constant 0xCB1120AC : f32
      %add3A_1129 = vector.broadcast %add3A_1128 : f32 to vector<16xf32>
      %add3A_1130 = arith.addf %mul3A_1127, %add3A_1129 : vector<16xf32>
      %add3A_1131 = arith.addf %convert_element_type3A_1109, %add3A_1130 : vector<16xf32>
      %sub3A_1132 = arith.constant 1.000010e+00 : f32
      %sub3A_1133 = vector.broadcast %sub3A_1132 : f32 to vector<16xf32>
      %sub3A_1134 = arith.subf %sub3A_1133, %get3A_1097 : vector<16xf32>
      %bitcast_convert_type3A_1135 = tpu.bitcast %sub3A_1134 : vector<16xf32> -> vector<16xi32>
      %convert_element_type3A_1136 = arith.sitofp %bitcast_convert_type3A_1135 : vector<16xi32> to vector<16xf32>
      %and3A_1137 = arith.constant 8388607 : i32
      %and3A_1138 = vector.broadcast %and3A_1137 : i32 to vector<16xi32>
      %and3A_1139 = arith.andi %bitcast_convert_type3A_1135, %and3A_1138 : vector<16xi32>
      %or3A_1140 = arith.constant 1065353216 : i32
      %or3A_1141 = vector.broadcast %or3A_1140 : i32 to vector<16xi32>
      %or3A_1142 = arith.ori %and3A_1139, %or3A_1141 : vector<16xi32>
      %bitcast_convert_type3A_1143 = tpu.bitcast %or3A_1142 : vector<16xi32> -> vector<16xf32>
      %mul3A_1144 = arith.constant 0x499D9B38 : f32
      %mul3A_1145 = vector.broadcast %mul3A_1144 : f32 to vector<16xf32>
      %mul3A_1146 = arith.mulf %mul3A_1145, %bitcast_convert_type3A_1143 : vector<16xf32>
      %add3A_1147 = arith.constant 0xCB03C634 : f32
      %add3A_1148 = vector.broadcast %add3A_1147 : f32 to vector<16xf32>
      %add3A_1149 = arith.addf %mul3A_1146, %add3A_1148 : vector<16xf32>
      %mul3A_1150 = arith.mulf %add3A_1149, %bitcast_convert_type3A_1143 : vector<16xf32>
      %add3A_1151 = arith.constant 0x4B80AF9B : f32
      %add3A_1152 = vector.broadcast %add3A_1151 : f32 to vector<16xf32>
      %add3A_1153 = arith.addf %mul3A_1150, %add3A_1152 : vector<16xf32>
      %mul3A_1154 = arith.mulf %add3A_1153, %bitcast_convert_type3A_1143 : vector<16xf32>
      %add3A_1155 = arith.constant 0xCB1120AC : f32
      %add3A_1156 = vector.broadcast %add3A_1155 : f32 to vector<16xf32>
      %add3A_1157 = arith.addf %mul3A_1154, %add3A_1156 : vector<16xf32>
      %add3A_1158 = arith.addf %convert_element_type3A_1136, %add3A_1157 : vector<16xf32>
      %sub3A_1159 = arith.subf %add3A_1131, %add3A_1158 : vector<16xf32>
      %mul3A_1160 = arith.mulf %get3A_1097, %sub3A_1159 : vector<16xf32>
      %sub3A_1161 = arith.constant 1.06535322E+9 : f32
      %sub3A_1162 = vector.broadcast %sub3A_1161 : f32 to vector<16xf32>
      %sub3A_1163 = arith.subf %add3A_1158, %sub3A_1162 : vector<16xf32>
      %add3A_1164 = arith.addf %mul3A_1160, %sub3A_1163 : vector<16xf32>
      %add3A_1165 = arith.addf %add3A_1085, %get3A_1097 : vector<16xf32>
      %mul3A_1166 = arith.mulf %get3A_1097, %convert_element_type3A_1104 : vector<16xf32>
      %add3A_1167 = arith.addf %add3A_1087, %mul3A_1166 : vector<16xf32>
      %add3A_1168 = arith.addf %add3A_1088, %convert_element_type3A_1104 : vector<16xf32>
      %add3A_1169 = arith.addf %add3A_1089, %add3A_1164 : vector<16xf32>
      %mul3A_1170 = arith.mulf %add3A_1164, %convert_element_type3A_1104 : vector<16xf32>
      %add3A_1171 = arith.addf %add3A_1091, %mul3A_1170 : vector<16xf32>
      %get3A_1172 = arith.constant 0 : i32
      %get3A_1173 = arith.index_cast %get3A_1172 : i32 to index
      %get3A_1174 = arith.index_cast %scan3A_130 : i32 to index
      %get3A_1175 = arith.constant 208 : index
      %get3A_1176 = tpu.vector_load %arg5[%get3A_1173, %get3A_1174, %get3A_1175] {strides = array<i32>} : memref<2x32x256xf32, #tpu.memory_space<vmem>>, vector<1x1x16xf32>,
      %get3A_1177 = vector.shape_cast %get3A_1176 : vector<1x1x16xf32> to vector<16xf32>
      %get3A_1178 = arith.constant 0 : i32
      %get3A_1179 = arith.index_cast %get3A_1178 : i32 to index
      %get3A_1180 = arith.index_cast %scan3A_130 : i32 to index
      %get3A_1181 = arith.constant 208 : index
      %get3A_1182 = tpu.vector_load %arg6[%get3A_1179, %get3A_1180, %get3A_1181] {strides = array<i32>} : memref<2x32x256xi32, #tpu.memory_space<vmem>>, vector<1x1x16xi32>,
      %get3A_1183 = vector.shape_cast %get3A_1182 : vector<1x1x16xi32> to vector<16xi32>
      %convert_element_type3A_1184 = arith.sitofp %get3A_1183 : vector<16xi32> to vector<16xf32>
      %add3A_1185 = arith.constant 9.99999974E-6 : f32
      %add3A_1186 = vector.broadcast %add3A_1185 : f32 to vector<16xf32>
      %add3A_1187 = arith.addf %get3A_1177, %add3A_1186 : vector<16xf32>
      %bitcast_convert_type3A_1188 = tpu.bitcast %add3A_1187 : vector<16xf32> -> vector<16xi32>
      %convert_element_type3A_1189 = arith.sitofp %bitcast_convert_type3A_1188 : vector<16xi32> to vector<16xf32>
      %and3A_1190 = arith.constant 8388607 : i32
      %and3A_1191 = vector.broadcast %and3A_1190 : i32 to vector<16xi32>
      %and3A_1192 = arith.andi %bitcast_convert_type3A_1188, %and3A_1191 : vector<16xi32>
      %or3A_1193 = arith.constant 1065353216 : i32
      %or3A_1194 = vector.broadcast %or3A_1193 : i32 to vector<16xi32>
      %or3A_1195 = arith.ori %and3A_1192, %or3A_1194 : vector<16xi32>
      %bitcast_convert_type3A_1196 = tpu.bitcast %or3A_1195 : vector<16xi32> -> vector<16xf32>
      %mul3A_1197 = arith.constant 0x499D9B38 : f32
      %mul3A_1198 = vector.broadcast %mul3A_1197 : f32 to vector<16xf32>
      %mul3A_1199 = arith.mulf %mul3A_1198, %bitcast_convert_type3A_1196 : vector<16xf32>
      %add3A_1200 = arith.constant 0xCB03C634 : f32
      %add3A_1201 = vector.broadcast %add3A_1200 : f32 to vector<16xf32>
      %add3A_1202 = arith.addf %mul3A_1199, %add3A_1201 : vector<16xf32>
      %mul3A_1203 = arith.mulf %add3A_1202, %bitcast_convert_type3A_1196 : vector<16xf32>
      %add3A_1204 = arith.constant 0x4B80AF9B : f32
      %add3A_1205 = vector.broadcast %add3A_1204 : f32 to vector<16xf32>
      %add3A_1206 = arith.addf %mul3A_1203, %add3A_1205 : vector<16xf32>
      %mul3A_1207 = arith.mulf %add3A_1206, %bitcast_convert_type3A_1196 : vector<16xf32>
      %add3A_1208 = arith.constant 0xCB1120AC : f32
      %add3A_1209 = vector.broadcast %add3A_1208 : f32 to vector<16xf32>
      %add3A_1210 = arith.addf %mul3A_1207, %add3A_1209 : vector<16xf32>
      %add3A_1211 = arith.addf %convert_element_type3A_1189, %add3A_1210 : vector<16xf32>
      %sub3A_1212 = arith.constant 1.000010e+00 : f32
      %sub3A_1213 = vector.broadcast %sub3A_1212 : f32 to vector<16xf32>
      %sub3A_1214 = arith.subf %sub3A_1213, %get3A_1177 : vector<16xf32>
      %bitcast_convert_type3A_1215 = tpu.bitcast %sub3A_1214 : vector<16xf32> -> vector<16xi32>
      %convert_element_type3A_1216 = arith.sitofp %bitcast_convert_type3A_1215 : vector<16xi32> to vector<16xf32>
      %and3A_1217 = arith.constant 8388607 : i32
      %and3A_1218 = vector.broadcast %and3A_1217 : i32 to vector<16xi32>
      %and3A_1219 = arith.andi %bitcast_convert_type3A_1215, %and3A_1218 : vector<16xi32>
      %or3A_1220 = arith.constant 1065353216 : i32
      %or3A_1221 = vector.broadcast %or3A_1220 : i32 to vector<16xi32>
      %or3A_1222 = arith.ori %and3A_1219, %or3A_1221 : vector<16xi32>
      %bitcast_convert_type3A_1223 = tpu.bitcast %or3A_1222 : vector<16xi32> -> vector<16xf32>
      %mul3A_1224 = arith.constant 0x499D9B38 : f32
      %mul3A_1225 = vector.broadcast %mul3A_1224 : f32 to vector<16xf32>
      %mul3A_1226 = arith.mulf %mul3A_1225, %bitcast_convert_type3A_1223 : vector<16xf32>
      %add3A_1227 = arith.constant 0xCB03C634 : f32
      %add3A_1228 = vector.broadcast %add3A_1227 : f32 to vector<16xf32>
      %add3A_1229 = arith.addf %mul3A_1226, %add3A_1228 : vector<16xf32>
      %mul3A_1230 = arith.mulf %add3A_1229, %bitcast_convert_type3A_1223 : vector<16xf32>
      %add3A_1231 = arith.constant 0x4B80AF9B : f32
      %add3A_1232 = vector.broadcast %add3A_1231 : f32 to vector<16xf32>
      %add3A_1233 = arith.addf %mul3A_1230, %add3A_1232 : vector<16xf32>
      %mul3A_1234 = arith.mulf %add3A_1233, %bitcast_convert_type3A_1223 : vector<16xf32>
      %add3A_1235 = arith.constant 0xCB1120AC : f32
      %add3A_1236 = vector.broadcast %add3A_1235 : f32 to vector<16xf32>
      %add3A_1237 = arith.addf %mul3A_1234, %add3A_1236 : vector<16xf32>
      %add3A_1238 = arith.addf %convert_element_type3A_1216, %add3A_1237 : vector<16xf32>
      %sub3A_1239 = arith.subf %add3A_1211, %add3A_1238 : vector<16xf32>
      %mul3A_1240 = arith.mulf %get3A_1177, %sub3A_1239 : vector<16xf32>
      %sub3A_1241 = arith.constant 1.06535322E+9 : f32
      %sub3A_1242 = vector.broadcast %sub3A_1241 : f32 to vector<16xf32>
      %sub3A_1243 = arith.subf %add3A_1238, %sub3A_1242 : vector<16xf32>
      %add3A_1244 = arith.addf %mul3A_1240, %sub3A_1243 : vector<16xf32>
      %add3A_1245 = arith.addf %add3A_1165, %get3A_1177 : vector<16xf32>
      %mul3A_1246 = arith.mulf %get3A_1177, %convert_element_type3A_1184 : vector<16xf32>
      %add3A_1247 = arith.addf %add3A_1167, %mul3A_1246 : vector<16xf32>
      %add3A_1248 = arith.addf %add3A_1168, %convert_element_type3A_1184 : vector<16xf32>
      %add3A_1249 = arith.addf %add3A_1169, %add3A_1244 : vector<16xf32>
      %mul3A_1250 = arith.mulf %add3A_1244, %convert_element_type3A_1184 : vector<16xf32>
      %add3A_1251 = arith.addf %add3A_1171, %mul3A_1250 : vector<16xf32>
      %get3A_1252 = arith.constant 0 : i32
      %get3A_1253 = arith.index_cast %get3A_1252 : i32 to index
      %get3A_1254 = arith.index_cast %scan3A_130 : i32 to index
      %get3A_1255 = arith.constant 224 : index
      %get3A_1256 = tpu.vector_load %arg5[%get3A_1253, %get3A_1254, %get3A_1255] {strides = array<i32>} : memref<2x32x256xf32, #tpu.memory_space<vmem>>, vector<1x1x16xf32>,
      %get3A_1257 = vector.shape_cast %get3A_1256 : vector<1x1x16xf32> to vector<16xf32>
      %get3A_1258 = arith.constant 0 : i32
      %get3A_1259 = arith.index_cast %get3A_1258 : i32 to index
      %get3A_1260 = arith.index_cast %scan3A_130 : i32 to index
      %get3A_1261 = arith.constant 224 : index
      %get3A_1262 = tpu.vector_load %arg6[%get3A_1259, %get3A_1260, %get3A_1261] {strides = array<i32>} : memref<2x32x256xi32, #tpu.memory_space<vmem>>, vector<1x1x16xi32>,
      %get3A_1263 = vector.shape_cast %get3A_1262 : vector<1x1x16xi32> to vector<16xi32>
      %convert_element_type3A_1264 = arith.sitofp %get3A_1263 : vector<16xi32> to vector<16xf32>
      %add3A_1265 = arith.constant 9.99999974E-6 : f32
      %add3A_1266 = vector.broadcast %add3A_1265 : f32 to vector<16xf32>
      %add3A_1267 = arith.addf %get3A_1257, %add3A_1266 : vector<16xf32>
      %bitcast_convert_type3A_1268 = tpu.bitcast %add3A_1267 : vector<16xf32> -> vector<16xi32>
      %convert_element_type3A_1269 = arith.sitofp %bitcast_convert_type3A_1268 : vector<16xi32> to vector<16xf32>
      %and3A_1270 = arith.constant 8388607 : i32
      %and3A_1271 = vector.broadcast %and3A_1270 : i32 to vector<16xi32>
      %and3A_1272 = arith.andi %bitcast_convert_type3A_1268, %and3A_1271 : vector<16xi32>
      %or3A_1273 = arith.constant 1065353216 : i32
      %or3A_1274 = vector.broadcast %or3A_1273 : i32 to vector<16xi32>
      %or3A_1275 = arith.ori %and3A_1272, %or3A_1274 : vector<16xi32>
      %bitcast_convert_type3A_1276 = tpu.bitcast %or3A_1275 : vector<16xi32> -> vector<16xf32>
      %mul3A_1277 = arith.constant 0x499D9B38 : f32
      %mul3A_1278 = vector.broadcast %mul3A_1277 : f32 to vector<16xf32>
      %mul3A_1279 = arith.mulf %mul3A_1278, %bitcast_convert_type3A_1276 : vector<16xf32>
      %add3A_1280 = arith.constant 0xCB03C634 : f32
      %add3A_1281 = vector.broadcast %add3A_1280 : f32 to vector<16xf32>
      %add3A_1282 = arith.addf %mul3A_1279, %add3A_1281 : vector<16xf32>
      %mul3A_1283 = arith.mulf %add3A_1282, %bitcast_convert_type3A_1276 : vector<16xf32>
      %add3A_1284 = arith.constant 0x4B80AF9B : f32
      %add3A_1285 = vector.broadcast %add3A_1284 : f32 to vector<16xf32>
      %add3A_1286 = arith.addf %mul3A_1283, %add3A_1285 : vector<16xf32>
      %mul3A_1287 = arith.mulf %add3A_1286, %bitcast_convert_type3A_1276 : vector<16xf32>
      %add3A_1288 = arith.constant 0xCB1120AC : f32
      %add3A_1289 = vector.broadcast %add3A_1288 : f32 to vector<16xf32>
      %add3A_1290 = arith.addf %mul3A_1287, %add3A_1289 : vector<16xf32>
      %add3A_1291 = arith.addf %convert_element_type3A_1269, %add3A_1290 : vector<16xf32>
      %sub3A_1292 = arith.constant 1.000010e+00 : f32
      %sub3A_1293 = vector.broadcast %sub3A_1292 : f32 to vector<16xf32>
      %sub3A_1294 = arith.subf %sub3A_1293, %get3A_1257 : vector<16xf32>
      %bitcast_convert_type3A_1295 = tpu.bitcast %sub3A_1294 : vector<16xf32> -> vector<16xi32>
      %convert_element_type3A_1296 = arith.sitofp %bitcast_convert_type3A_1295 : vector<16xi32> to vector<16xf32>
      %and3A_1297 = arith.constant 8388607 : i32
      %and3A_1298 = vector.broadcast %and3A_1297 : i32 to vector<16xi32>
      %and3A_1299 = arith.andi %bitcast_convert_type3A_1295, %and3A_1298 : vector<16xi32>
      %or3A_1300 = arith.constant 1065353216 : i32
      %or3A_1301 = vector.broadcast %or3A_1300 : i32 to vector<16xi32>
      %or3A_1302 = arith.ori %and3A_1299, %or3A_1301 : vector<16xi32>
      %bitcast_convert_type3A_1303 = tpu.bitcast %or3A_1302 : vector<16xi32> -> vector<16xf32>
      %mul3A_1304 = arith.constant 0x499D9B38 : f32
      %mul3A_1305 = vector.broadcast %mul3A_1304 : f32 to vector<16xf32>
      %mul3A_1306 = arith.mulf %mul3A_1305, %bitcast_convert_type3A_1303 : vector<16xf32>
      %add3A_1307 = arith.constant 0xCB03C634 : f32
      %add3A_1308 = vector.broadcast %add3A_1307 : f32 to vector<16xf32>
      %add3A_1309 = arith.addf %mul3A_1306, %add3A_1308 : vector<16xf32>
      %mul3A_1310 = arith.mulf %add3A_1309, %bitcast_convert_type3A_1303 : vector<16xf32>
      %add3A_1311 = arith.constant 0x4B80AF9B : f32
      %add3A_1312 = vector.broadcast %add3A_1311 : f32 to vector<16xf32>
      %add3A_1313 = arith.addf %mul3A_1310, %add3A_1312 : vector<16xf32>
      %mul3A_1314 = arith.mulf %add3A_1313, %bitcast_convert_type3A_1303 : vector<16xf32>
      %add3A_1315 = arith.constant 0xCB1120AC : f32
      %add3A_1316 = vector.broadcast %add3A_1315 : f32 to vector<16xf32>
      %add3A_1317 = arith.addf %mul3A_1314, %add3A_1316 : vector<16xf32>
      %add3A_1318 = arith.addf %convert_element_type3A_1296, %add3A_1317 : vector<16xf32>
      %sub3A_1319 = arith.subf %add3A_1291, %add3A_1318 : vector<16xf32>
      %mul3A_1320 = arith.mulf %get3A_1257, %sub3A_1319 : vector<16xf32>
      %sub3A_1321 = arith.constant 1.06535322E+9 : f32
      %sub3A_1322 = vector.broadcast %sub3A_1321 : f32 to vector<16xf32>
      %sub3A_1323 = arith.subf %add3A_1318, %sub3A_1322 : vector<16xf32>
      %add3A_1324 = arith.addf %mul3A_1320, %sub3A_1323 : vector<16xf32>
      %add3A_1325 = arith.addf %add3A_1245, %get3A_1257 : vector<16xf32>
      %mul3A_1326 = arith.mulf %get3A_1257, %convert_element_type3A_1264 : vector<16xf32>
      %add3A_1327 = arith.addf %add3A_1247, %mul3A_1326 : vector<16xf32>
      %add3A_1328 = arith.addf %add3A_1248, %convert_element_type3A_1264 : vector<16xf32>
      %add3A_1329 = arith.addf %add3A_1249, %add3A_1324 : vector<16xf32>
      %mul3A_1330 = arith.mulf %add3A_1324, %convert_element_type3A_1264 : vector<16xf32>
      %add3A_1331 = arith.addf %add3A_1251, %mul3A_1330 : vector<16xf32>
      %get3A_1332 = arith.constant 0 : i32
      %get3A_1333 = arith.index_cast %get3A_1332 : i32 to index
      %get3A_1334 = arith.index_cast %scan3A_130 : i32 to index
      %get3A_1335 = arith.constant 240 : index
      %get3A_1336 = tpu.vector_load %arg5[%get3A_1333, %get3A_1334, %get3A_1335] {strides = array<i32>} : memref<2x32x256xf32, #tpu.memory_space<vmem>>, vector<1x1x16xf32>,
      %get3A_1337 = vector.shape_cast %get3A_1336 : vector<1x1x16xf32> to vector<16xf32>
      %get3A_1338 = arith.constant 0 : i32
      %get3A_1339 = arith.index_cast %get3A_1338 : i32 to index
      %get3A_1340 = arith.index_cast %scan3A_130 : i32 to index
      %get3A_1341 = arith.constant 240 : index
      %get3A_1342 = tpu.vector_load %arg6[%get3A_1339, %get3A_1340, %get3A_1341] {strides = array<i32>} : memref<2x32x256xi32, #tpu.memory_space<vmem>>, vector<1x1x16xi32>,
      %get3A_1343 = vector.shape_cast %get3A_1342 : vector<1x1x16xi32> to vector<16xi32>
      %convert_element_type3A_1344 = arith.sitofp %get3A_1343 : vector<16xi32> to vector<16xf32>
      %add3A_1345 = arith.constant 9.99999974E-6 : f32
      %add3A_1346 = vector.broadcast %add3A_1345 : f32 to vector<16xf32>
      %add3A_1347 = arith.addf %get3A_1337, %add3A_1346 : vector<16xf32>
      %bitcast_convert_type3A_1348 = tpu.bitcast %add3A_1347 : vector<16xf32> -> vector<16xi32>
      %convert_element_type3A_1349 = arith.sitofp %bitcast_convert_type3A_1348 : vector<16xi32> to vector<16xf32>
      %and3A_1350 = arith.constant 8388607 : i32
      %and3A_1351 = vector.broadcast %and3A_1350 : i32 to vector<16xi32>
      %and3A_1352 = arith.andi %bitcast_convert_type3A_1348, %and3A_1351 : vector<16xi32>
      %or3A_1353 = arith.constant 1065353216 : i32
      %or3A_1354 = vector.broadcast %or3A_1353 : i32 to vector<16xi32>
      %or3A_1355 = arith.ori %and3A_1352, %or3A_1354 : vector<16xi32>
      %bitcast_convert_type3A_1356 = tpu.bitcast %or3A_1355 : vector<16xi32> -> vector<16xf32>
      %mul3A_1357 = arith.constant 0x499D9B38 : f32
      %mul3A_1358 = vector.broadcast %mul3A_1357 : f32 to vector<16xf32>
      %mul3A_1359 = arith.mulf %mul3A_1358, %bitcast_convert_type3A_1356 : vector<16xf32>
      %add3A_1360 = arith.constant 0xCB03C634 : f32
      %add3A_1361 = vector.broadcast %add3A_1360 : f32 to vector<16xf32>
      %add3A_1362 = arith.addf %mul3A_1359, %add3A_1361 : vector<16xf32>
      %mul3A_1363 = arith.mulf %add3A_1362, %bitcast_convert_type3A_1356 : vector<16xf32>
      %add3A_1364 = arith.constant 0x4B80AF9B : f32
      %add3A_1365 = vector.broadcast %add3A_1364 : f32 to vector<16xf32>
      %add3A_1366 = arith.addf %mul3A_1363, %add3A_1365 : vector<16xf32>
      %mul3A_1367 = arith.mulf %add3A_1366, %bitcast_convert_type3A_1356 : vector<16xf32>
      %add3A_1368 = arith.constant 0xCB1120AC : f32
      %add3A_1369 = vector.broadcast %add3A_1368 : f32 to vector<16xf32>
      %add3A_1370 = arith.addf %mul3A_1367, %add3A_1369 : vector<16xf32>
      %add3A_1371 = arith.addf %convert_element_type3A_1349, %add3A_1370 : vector<16xf32>
      %sub3A_1372 = arith.constant 1.000010e+00 : f32
      %sub3A_1373 = vector.broadcast %sub3A_1372 : f32 to vector<16xf32>
      %sub3A_1374 = arith.subf %sub3A_1373, %get3A_1337 : vector<16xf32>
      %bitcast_convert_type3A_1375 = tpu.bitcast %sub3A_1374 : vector<16xf32> -> vector<16xi32>
      %convert_element_type3A_1376 = arith.sitofp %bitcast_convert_type3A_1375 : vector<16xi32> to vector<16xf32>
      %and3A_1377 = arith.constant 8388607 : i32
      %and3A_1378 = vector.broadcast %and3A_1377 : i32 to vector<16xi32>
      %and3A_1379 = arith.andi %bitcast_convert_type3A_1375, %and3A_1378 : vector<16xi32>
      %or3A_1380 = arith.constant 1065353216 : i32
      %or3A_1381 = vector.broadcast %or3A_1380 : i32 to vector<16xi32>
      %or3A_1382 = arith.ori %and3A_1379, %or3A_1381 : vector<16xi32>
      %bitcast_convert_type3A_1383 = tpu.bitcast %or3A_1382 : vector<16xi32> -> vector<16xf32>
      %mul3A_1384 = arith.constant 0x499D9B38 : f32
      %mul3A_1385 = vector.broadcast %mul3A_1384 : f32 to vector<16xf32>
      %mul3A_1386 = arith.mulf %mul3A_1385, %bitcast_convert_type3A_1383 : vector<16xf32>
      %add3A_1387 = arith.constant 0xCB03C634 : f32
      %add3A_1388 = vector.broadcast %add3A_1387 : f32 to vector<16xf32>
      %add3A_1389 = arith.addf %mul3A_1386, %add3A_1388 : vector<16xf32>
      %mul3A_1390 = arith.mulf %add3A_1389, %bitcast_convert_type3A_1383 : vector<16xf32>
      %add3A_1391 = arith.constant 0x4B80AF9B : f32
      %add3A_1392 = vector.broadcast %add3A_1391 : f32 to vector<16xf32>
      %add3A_1393 = arith.addf %mul3A_1390, %add3A_1392 : vector<16xf32>
      %mul3A_1394 = arith.mulf %add3A_1393, %bitcast_convert_type3A_1383 : vector<16xf32>
      %add3A_1395 = arith.constant 0xCB1120AC : f32
      %add3A_1396 = vector.broadcast %add3A_1395 : f32 to vector<16xf32>
      %add3A_1397 = arith.addf %mul3A_1394, %add3A_1396 : vector<16xf32>
      %add3A_1398 = arith.addf %convert_element_type3A_1376, %add3A_1397 : vector<16xf32>
      %sub3A_1399 = arith.subf %add3A_1371, %add3A_1398 : vector<16xf32>
      %mul3A_1400 = arith.mulf %get3A_1337, %sub3A_1399 : vector<16xf32>
      %sub3A_1401 = arith.constant 1.06535322E+9 : f32
      %sub3A_1402 = vector.broadcast %sub3A_1401 : f32 to vector<16xf32>
      %sub3A_1403 = arith.subf %add3A_1398, %sub3A_1402 : vector<16xf32>
      %add3A_1404 = arith.addf %mul3A_1400, %sub3A_1403 : vector<16xf32>
      %add3A_1405 = arith.addf %add3A_1325, %get3A_1337 : vector<16xf32>
      %mul3A_1406 = arith.mulf %get3A_1337, %convert_element_type3A_1344 : vector<16xf32>
      %add3A_1407 = arith.addf %add3A_1327, %mul3A_1406 : vector<16xf32>
      %add3A_1408 = arith.addf %add3A_1328, %convert_element_type3A_1344 : vector<16xf32>
      %add3A_1409 = arith.addf %add3A_1329, %add3A_1404 : vector<16xf32>
      %mul3A_1410 = arith.mulf %add3A_1404, %convert_element_type3A_1344 : vector<16xf32>
      %add3A_1411 = arith.addf %add3A_1331, %mul3A_1410 : vector<16xf32>
      scf.yield %add3A_1405, %add3A_1407, %add3A_1408, %add3A_1409, %add3A_1411 : vector<16xf32>, vector<16xf32>, vector<16xf32>, vector<16xf32>, vector<16xf32>
    }
    %scan3A_100 = arith.constant 32 : i32
    %swap3A = arith.constant 0 : i32
    %swap3A_101 = arith.index_cast %swap3A : i32 to index
    %swap3A_102 = arith.constant 0 : index
    %swap3A_103 = tpu.vector_load %arg7[%swap3A_101, %swap3A_102] {strides = array<i32>} : memref<5x16xf32, #tpu.memory_space<vmem>>, vector<1x16xf32>,
    %swap3A_104 = vector.shape_cast %swap3A_103 : vector<1x16xf32> to vector<16xf32>
    %swap3A_105 = vector.shape_cast %scan3A_99#0 : vector<16xf32> to vector<1x16xf32>
    tpu.vector_store %arg7[%swap3A_101, %swap3A_102], %swap3A_105 {strides = array<i32>} : memref<5x16xf32, #tpu.memory_space<vmem>>, vector<1x16xf32>,
    %swap3A_106 = arith.constant 1 : i32
    %swap3A_107 = arith.index_cast %swap3A_106 : i32 to index
    %swap3A_108 = arith.constant 0 : index
    %swap3A_109 = tpu.vector_load %arg7[%swap3A_107, %swap3A_108] {strides = array<i32>} : memref<5x16xf32, #tpu.memory_space<vmem>>, vector<1x16xf32>,
    %swap3A_110 = vector.shape_cast %swap3A_109 : vector<1x16xf32> to vector<16xf32>
    %swap3A_111 = vector.shape_cast %scan3A_99#1 : vector<16xf32> to vector<1x16xf32>
    tpu.vector_store %arg7[%swap3A_107, %swap3A_108], %swap3A_111 {strides = array<i32>} : memref<5x16xf32, #tpu.memory_space<vmem>>, vector<1x16xf32>,
    %swap3A_112 = arith.constant 2 : i32
    %swap3A_113 = arith.index_cast %swap3A_112 : i32 to index
    %swap3A_114 = arith.constant 0 : index
    %swap3A_115 = tpu.vector_load %arg7[%swap3A_113, %swap3A_114] {strides = array<i32>} : memref<5x16xf32, #tpu.memory_space<vmem>>, vector<1x16xf32>,
    %swap3A_116 = vector.shape_cast %swap3A_115 : vector<1x16xf32> to vector<16xf32>
    %swap3A_117 = vector.shape_cast %scan3A_99#2 : vector<16xf32> to vector<1x16xf32>
    tpu.vector_store %arg7[%swap3A_113, %swap3A_114], %swap3A_117 {strides = array<i32>} : memref<5x16xf32, #tpu.memory_space<vmem>>, vector<1x16xf32>,
    %swap3A_118 = arith.constant 3 : i32
    %swap3A_119 = arith.index_cast %swap3A_118 : i32 to index
    %swap3A_120 = arith.constant 0 : index
    %swap3A_121 = tpu.vector_load %arg7[%swap3A_119, %swap3A_120] {strides = array<i32>} : memref<5x16xf32, #tpu.memory_space<vmem>>, vector<1x16xf32>,
    %swap3A_122 = vector.shape_cast %swap3A_121 : vector<1x16xf32> to vector<16xf32>
    %swap3A_123 = vector.shape_cast %scan3A_99#3 : vector<16xf32> to vector<1x16xf32>
    tpu.vector_store %arg7[%swap3A_119, %swap3A_120], %swap3A_123 {strides = array<i32>} : memref<5x16xf32, #tpu.memory_space<vmem>>, vector<1x16xf32>,
    %swap3A_124 = arith.constant 4 : i32
    %swap3A_125 = arith.index_cast %swap3A_124 : i32 to index
    %swap3A_126 = arith.constant 0 : index
    %swap3A_127 = tpu.vector_load %arg7[%swap3A_125, %swap3A_126] {strides = array<i32>} : memref<5x16xf32, #tpu.memory_space<vmem>>, vector<1x16xf32>,
    %swap3A_128 = vector.shape_cast %swap3A_127 : vector<1x16xf32> to vector<16xf32>
    %swap3A_129 = vector.shape_cast %scan3A_99#4 : vector<16xf32> to vector<1x16xf32>
    tpu.vector_store %arg7[%swap3A_125, %swap3A_126], %swap3A_129 {strides = array<i32>} : memref<5x16xf32, #tpu.memory_space<vmem>>, vector<1x16xf32>,
    "tpu.region"() ({
      %run_scoped3A = tpu.sem_alloc : memref<!tpu.dma_semaphore, #tpu.memory_space<semaphore_mem>>
      %dma_start3A_130 = arith.constant 0 : i32
      %dma_start3A_131 = arith.constant 0 : i32
      %dma_start3A_132 = tpu.memref_slice %arg4[%add3A, %dma_start3A_130, %dma_start3A_131] : memref<32x5x16xf32, #tpu.memory_space<hbm>> -> memref<1x5x16xf32, #tpu.memory_space<hbm>>
      %dma_start3A_133 = tpu.memref_squeeze %dma_start3A_132 : memref<1x5x16xf32, #tpu.memory_space<hbm>> -> memref<5x16xf32, #tpu.memory_space<hbm>>
      %dma_start3A_134 = arith.constant 0 : i32
      %dma_start3A_135 = arith.constant 0 : i32
      %dma_start3A_136 = tpu.memref_slice %arg4[%add3A, %dma_start3A_134, %dma_start3A_135] : memref<32x5x16xf32, #tpu.memory_space<hbm>> -> memref<1x5x16xf32, #tpu.memory_space<hbm>>
      %dma_start3A_137 = tpu.memref_squeeze %dma_start3A_136 : memref<1x5x16xf32, #tpu.memory_space<hbm>> -> memref<5x16xf32, #tpu.memory_space<hbm>>
      tpu.enqueue_dma source(%arg7 : memref<5x16xf32, #tpu.memory_space<vmem>>) target(%dma_start3A_137 : memref<5x16xf32, #tpu.memory_space<hbm>>) target_semaphore(%run_scoped3A : memref<!tpu.dma_semaphore, #tpu.memory_space<semaphore_mem>>)
      %dma_wait3A_138 = arith.constant 0 : i32
      %dma_wait3A_139 = arith.constant 0 : i32
      %dma_wait3A_140 = tpu.memref_slice %arg4[%add3A, %dma_wait3A_138, %dma_wait3A_139] : memref<32x5x16xf32, #tpu.memory_space<hbm>> -> memref<1x5x16xf32, #tpu.memory_space<hbm>>
      %dma_wait3A_141 = tpu.memref_squeeze %dma_wait3A_140 : memref<1x5x16xf32, #tpu.memory_space<hbm>> -> memref<5x16xf32, #tpu.memory_space<hbm>>
      %dma_wait3A_142 = arith.constant 0 : i32
      %dma_wait3A_143 = arith.constant 0 : i32
      %dma_wait3A_144 = tpu.memref_slice %arg4[%add3A, %dma_wait3A_142, %dma_wait3A_143] : memref<32x5x16xf32, #tpu.memory_space<hbm>> -> memref<1x5x16xf32, #tpu.memory_space<hbm>>
      %dma_wait3A_145 = tpu.memref_squeeze %dma_wait3A_144 : memref<1x5x16xf32, #tpu.memory_space<hbm>> -> memref<5x16xf32, #tpu.memory_space<hbm>>
      tpu.wait_dma2 semaphore(%run_scoped3A : memref<!tpu.dma_semaphore, #tpu.memory_space<semaphore_mem>>) src(%arg7 : memref<5x16xf32, #tpu.memory_space<vmem>>) dst(%dma_wait3A_145 : memref<5x16xf32, #tpu.memory_space<hbm>>)
      tpu.yield
    }) : () -> ()
    return
  }
}

module attributes {stable_mosaic.version = 14 : i64} {
  func.func @_tc_body(%arg0: i32, %arg1: memref<4x256x256xf32, #tpu.memory_space<vmem>>, %arg2: memref<4x256x256xi32, #tpu.memory_space<vmem>>, %arg3: memref<1x5xf32, #tpu.memory_space<smem>>, %arg4: memref<5x32x256xf32, #tpu.memory_space<vmem>>) attributes {dimension_semantics = [#tpu.dimension_semantics<arbitrary>], iteration_bounds = array<i64: 15>, scalar_prefetch = 0 : i64, scratch_operands = 1 : i64, tpu.core_type = #tpu.core_type<tc>, window_params = [{transform_indices = @transform_0, window_bounds = array<i64: 4, 256, 256>}, {transform_indices = @transform_1, window_bounds = array<i64: 4, 256, 256>}, {transform_indices = @transform_2, window_bounds = array<i64: 1, 5>}]} {
    %broadcast_in_dim3A = arith.constant 0.000000e+00 : f32
    %broadcast_in_dim3A_0 = vector.broadcast %broadcast_in_dim3A : f32 to vector<32x256xf32>
    %scan3A = arith.constant 0 : i32
    %scan3A_1 = arith.constant 8 : i32
    %scan3A_2 = arith.addi %scan3A, %scan3A_1 : i32
    %scan3A_3 = arith.constant 1 : i32
    %scan3A_4:5 = scf.for %scan3A_22 = %scan3A to %scan3A_2 step %scan3A_3 iter_args(%scan3A_23 = %broadcast_in_dim3A_0, %scan3A_24 = %broadcast_in_dim3A_0, %scan3A_25 = %broadcast_in_dim3A_0, %scan3A_26 = %broadcast_in_dim3A_0, %scan3A_27 = %broadcast_in_dim3A_0) -> (vector<32x256xf32>, vector<32x256xf32>, vector<32x256xf32>, vector<32x256xf32>, vector<32x256xf32>)  : i32 {
      %mul3A = arith.constant 32 : i32
      %mul3A_28 = arith.muli %scan3A_22, %mul3A : i32
      %get3A = arith.constant 0 : index
      %get3A_29 = arith.index_cast %mul3A_28 : i32 to index
      %get3A_30 = arith.constant 0 : index
      %get3A_31 = vector.load %arg1[%get3A, %get3A_29, %get3A_30] : memref<4x256x256xf32, #tpu.memory_space<vmem>>, vector<4x32x256xf32>
      %get3A_32 = arith.constant 0 : index
      %get3A_33 = arith.index_cast %mul3A_28 : i32 to index
      %get3A_34 = arith.constant 0 : index
      %get3A_35 = vector.load %arg2[%get3A_32, %get3A_33, %get3A_34] : memref<4x256x256xi32, #tpu.memory_space<vmem>>, vector<4x32x256xi32>
      %convert_element_type3A_36 = arith.sitofp %get3A_35 : vector<4x32x256xi32> to vector<4x32x256xf32>
      %add3A = arith.constant 9.99999974E-6 : f32
      %add3A_37 = vector.broadcast %add3A : f32 to vector<4x32x256xf32>
      %add3A_38 = arith.addf %get3A_31, %add3A_37 : vector<4x32x256xf32>
      %log3A = math.log %add3A_38 : vector<4x32x256xf32>
      %sub3A = arith.constant 1.000010e+00 : f32
      %sub3A_39 = vector.broadcast %sub3A : f32 to vector<4x32x256xf32>
      %sub3A_40 = arith.subf %sub3A_39, %get3A_31 : vector<4x32x256xf32>
      %log3A_41 = math.log %sub3A_40 : vector<4x32x256xf32>
      %sub3A_42 = arith.subf %log3A, %log3A_41 : vector<4x32x256xf32>
      %mul3A_43 = arith.mulf %get3A_31, %sub3A_42 : vector<4x32x256xf32>
      %add3A_44 = arith.addf %mul3A_43, %log3A_41 : vector<4x32x256xf32>
      %reduce_sum3A = arith.constant dense<0.000000e+00> : vector<32x256xf32>
      %reduce_sum3A_45 = vector.multi_reduction <add>, %get3A_31, %reduce_sum3A [0] : vector<4x32x256xf32> to vector<32x256xf32>
      %add3A_46 = arith.addf %scan3A_23, %reduce_sum3A_45 : vector<32x256xf32>
      %mul3A_47 = arith.mulf %get3A_31, %convert_element_type3A_36 : vector<4x32x256xf32>
      %reduce_sum3A_48 = arith.constant dense<0.000000e+00> : vector<32x256xf32>
      %reduce_sum3A_49 = vector.multi_reduction <add>, %mul3A_47, %reduce_sum3A_48 [0] : vector<4x32x256xf32> to vector<32x256xf32>
      %add3A_50 = arith.addf %scan3A_24, %reduce_sum3A_49 : vector<32x256xf32>
      %reduce_sum3A_51 = arith.constant dense<0.000000e+00> : vector<32x256xf32>
      %reduce_sum3A_52 = vector.multi_reduction <add>, %convert_element_type3A_36, %reduce_sum3A_51 [0] : vector<4x32x256xf32> to vector<32x256xf32>
      %add3A_53 = arith.addf %scan3A_25, %reduce_sum3A_52 : vector<32x256xf32>
      %reduce_sum3A_54 = arith.constant dense<0.000000e+00> : vector<32x256xf32>
      %reduce_sum3A_55 = vector.multi_reduction <add>, %add3A_44, %reduce_sum3A_54 [0] : vector<4x32x256xf32> to vector<32x256xf32>
      %add3A_56 = arith.addf %scan3A_26, %reduce_sum3A_55 : vector<32x256xf32>
      %mul3A_57 = arith.mulf %add3A_44, %convert_element_type3A_36 : vector<4x32x256xf32>
      %reduce_sum3A_58 = arith.constant dense<0.000000e+00> : vector<32x256xf32>
      %reduce_sum3A_59 = vector.multi_reduction <add>, %mul3A_57, %reduce_sum3A_58 [0] : vector<4x32x256xf32> to vector<32x256xf32>
      %add3A_60 = arith.addf %scan3A_27, %reduce_sum3A_59 : vector<32x256xf32>
      scf.yield %add3A_46, %add3A_50, %add3A_53, %add3A_56, %add3A_60 : vector<32x256xf32>, vector<32x256xf32>, vector<32x256xf32>, vector<32x256xf32>, vector<32x256xf32>
    }
    %scan3A_5 = arith.constant 8 : i32
    %stack3A = vector.shape_cast %scan3A_4#0 : vector<32x256xf32> to vector<1x32x256xf32>
    %stack3A_6 = vector.shape_cast %scan3A_4#1 : vector<32x256xf32> to vector<1x32x256xf32>
    %stack3A_7 = vector.shape_cast %scan3A_4#2 : vector<32x256xf32> to vector<1x32x256xf32>
    %stack3A_8 = vector.shape_cast %scan3A_4#3 : vector<32x256xf32> to vector<1x32x256xf32>
    %stack3A_9 = vector.shape_cast %scan3A_4#4 : vector<32x256xf32> to vector<1x32x256xf32>
    %stack3A_10 = tpu.concatenate %stack3A, %stack3A_6, %stack3A_7, %stack3A_8, %stack3A_9 in 0 : vector<1x32x256xf32>, vector<1x32x256xf32>, vector<1x32x256xf32>, vector<1x32x256xf32>, vector<1x32x256xf32> -> vector<5x32x256xf32>
    %eq3A = arith.constant 0 : i32
    %eq3A_11 = arith.cmpi eq, %arg0, %eq3A : i32
    %convert_element_type3A = arith.extui %eq3A_11 : i1 to i32
    %cond3A = arith.constant 0 : i32
    %cond3A_12 = arith.cmpi ne, %convert_element_type3A, %cond3A : i32
    scf.if %cond3A_12 {
      %swap3A = arith.constant 0 : index
      %swap3A_22 = arith.constant 0 : index
      %swap3A_23 = arith.constant 0 : index
      %swap3A_24 = vector.load %arg4[%swap3A, %swap3A_22, %swap3A_23] : memref<5x32x256xf32, #tpu.memory_space<vmem>>, vector<5x32x256xf32>
      tpu.vector_store %arg4[%swap3A, %swap3A_22, %swap3A_23], %stack3A_10 {strides = array<i32>} : memref<5x32x256xf32, #tpu.memory_space<vmem>>, vector<5x32x256xf32>,
    } else {
    }
    %gt3A = arith.constant 0 : i32
    %gt3A_13 = arith.cmpi sgt, %arg0, %gt3A : i32
    %convert_element_type3A_14 = arith.extui %gt3A_13 : i1 to i32
    %cond3A_15 = arith.constant 0 : i32
    %cond3A_16 = arith.cmpi ne, %convert_element_type3A_14, %cond3A_15 : i32
    scf.if %cond3A_16 {
      %get3A = arith.constant 0 : index
      %get3A_22 = arith.constant 0 : index
      %get3A_23 = arith.constant 0 : index
      %get3A_24 = vector.load %arg4[%get3A, %get3A_22, %get3A_23] : memref<5x32x256xf32, #tpu.memory_space<vmem>>, vector<5x32x256xf32>
      %add3A = arith.addf %get3A_24, %stack3A_10 : vector<5x32x256xf32>
      %swap3A = arith.constant 0 : index
      %swap3A_25 = arith.constant 0 : index
      %swap3A_26 = arith.constant 0 : index
      %swap3A_27 = vector.load %arg4[%swap3A, %swap3A_25, %swap3A_26] : memref<5x32x256xf32, #tpu.memory_space<vmem>>, vector<5x32x256xf32>
      tpu.vector_store %arg4[%swap3A, %swap3A_25, %swap3A_26], %add3A {strides = array<i32>} : memref<5x32x256xf32, #tpu.memory_space<vmem>>, vector<5x32x256xf32>,
    } else {
    }
    %eq3A_17 = arith.constant 14 : i32
    %eq3A_18 = arith.cmpi eq, %arg0, %eq3A_17 : i32
    %convert_element_type3A_19 = arith.extui %eq3A_18 : i1 to i32
    %cond3A_20 = arith.constant 0 : i32
    %cond3A_21 = arith.cmpi ne, %convert_element_type3A_19, %cond3A_20 : i32
    scf.if %cond3A_21 {
      %get3A = arith.constant 0 : index
      %get3A_22 = arith.constant 0 : index
      %get3A_23 = arith.constant 0 : index
      %get3A_24 = vector.load %arg4[%get3A, %get3A_22, %get3A_23] : memref<5x32x256xf32, #tpu.memory_space<vmem>>, vector<5x32x256xf32>
      %slice3A = vector.extract_strided_slice %get3A_24 {offsets = [0, 0, 0], sizes = [1, 32, 256], strides = [1, 1, 1]} : vector<5x32x256xf32> to vector<1x32x256xf32>
      %squeeze3A = vector.shape_cast %slice3A : vector<1x32x256xf32> to vector<32x256xf32>
      %reduce_sum3A = vector.shape_cast %squeeze3A : vector<32x256xf32> to vector<1x32x256xf32>
      %reduce_sum3A_25 = arith.constant dense<0.000000e+00> : vector<1xf32>
      %reduce_sum3A_26 = vector.multi_reduction <add>, %reduce_sum3A, %reduce_sum3A_25 [1, 2] : vector<1x32x256xf32> to vector<1xf32>
      %reduce_sum3A_27 = vector.shape_cast %reduce_sum3A_26 : vector<1xf32> to vector<1x1x1xf32>
      %reduce_sum3A_28 = vector.extract %reduce_sum3A_27[0, 0, 0] : f32 from vector<1x1x1xf32>
      %swap3A = arith.constant 0 : index
      %swap3A_29 = arith.constant 0 : index
      %swap3A_30 = memref.load %arg3[%swap3A, %swap3A_29] : memref<1x5xf32, #tpu.memory_space<smem>>
      memref.store %reduce_sum3A_28, %arg3[%swap3A, %swap3A_29] : memref<1x5xf32, #tpu.memory_space<smem>>
      %slice3A_31 = vector.extract_strided_slice %get3A_24 {offsets = [1, 0, 0], sizes = [1, 32, 256], strides = [1, 1, 1]} : vector<5x32x256xf32> to vector<1x32x256xf32>
      %squeeze3A_32 = vector.shape_cast %slice3A_31 : vector<1x32x256xf32> to vector<32x256xf32>
      %reduce_sum3A_33 = vector.shape_cast %squeeze3A_32 : vector<32x256xf32> to vector<1x32x256xf32>
      %reduce_sum3A_34 = arith.constant dense<0.000000e+00> : vector<1xf32>
      %reduce_sum3A_35 = vector.multi_reduction <add>, %reduce_sum3A_33, %reduce_sum3A_34 [1, 2] : vector<1x32x256xf32> to vector<1xf32>
      %reduce_sum3A_36 = vector.shape_cast %reduce_sum3A_35 : vector<1xf32> to vector<1x1x1xf32>
      %reduce_sum3A_37 = vector.extract %reduce_sum3A_36[0, 0, 0] : f32 from vector<1x1x1xf32>
      %swap3A_38 = arith.constant 0 : index
      %swap3A_39 = arith.constant 1 : index
      %swap3A_40 = memref.load %arg3[%swap3A_38, %swap3A_39] : memref<1x5xf32, #tpu.memory_space<smem>>
      memref.store %reduce_sum3A_37, %arg3[%swap3A_38, %swap3A_39] : memref<1x5xf32, #tpu.memory_space<smem>>
      %slice3A_41 = vector.extract_strided_slice %get3A_24 {offsets = [2, 0, 0], sizes = [1, 32, 256], strides = [1, 1, 1]} : vector<5x32x256xf32> to vector<1x32x256xf32>
      %squeeze3A_42 = vector.shape_cast %slice3A_41 : vector<1x32x256xf32> to vector<32x256xf32>
      %reduce_sum3A_43 = vector.shape_cast %squeeze3A_42 : vector<32x256xf32> to vector<1x32x256xf32>
      %reduce_sum3A_44 = arith.constant dense<0.000000e+00> : vector<1xf32>
      %reduce_sum3A_45 = vector.multi_reduction <add>, %reduce_sum3A_43, %reduce_sum3A_44 [1, 2] : vector<1x32x256xf32> to vector<1xf32>
      %reduce_sum3A_46 = vector.shape_cast %reduce_sum3A_45 : vector<1xf32> to vector<1x1x1xf32>
      %reduce_sum3A_47 = vector.extract %reduce_sum3A_46[0, 0, 0] : f32 from vector<1x1x1xf32>
      %swap3A_48 = arith.constant 0 : index
      %swap3A_49 = arith.constant 2 : index
      %swap3A_50 = memref.load %arg3[%swap3A_48, %swap3A_49] : memref<1x5xf32, #tpu.memory_space<smem>>
      memref.store %reduce_sum3A_47, %arg3[%swap3A_48, %swap3A_49] : memref<1x5xf32, #tpu.memory_space<smem>>
      %slice3A_51 = vector.extract_strided_slice %get3A_24 {offsets = [3, 0, 0], sizes = [1, 32, 256], strides = [1, 1, 1]} : vector<5x32x256xf32> to vector<1x32x256xf32>
      %squeeze3A_52 = vector.shape_cast %slice3A_51 : vector<1x32x256xf32> to vector<32x256xf32>
      %reduce_sum3A_53 = vector.shape_cast %squeeze3A_52 : vector<32x256xf32> to vector<1x32x256xf32>
      %reduce_sum3A_54 = arith.constant dense<0.000000e+00> : vector<1xf32>
      %reduce_sum3A_55 = vector.multi_reduction <add>, %reduce_sum3A_53, %reduce_sum3A_54 [1, 2] : vector<1x32x256xf32> to vector<1xf32>
      %reduce_sum3A_56 = vector.shape_cast %reduce_sum3A_55 : vector<1xf32> to vector<1x1x1xf32>
      %reduce_sum3A_57 = vector.extract %reduce_sum3A_56[0, 0, 0] : f32 from vector<1x1x1xf32>
      %swap3A_58 = arith.constant 0 : index
      %swap3A_59 = arith.constant 3 : index
      %swap3A_60 = memref.load %arg3[%swap3A_58, %swap3A_59] : memref<1x5xf32, #tpu.memory_space<smem>>
      memref.store %reduce_sum3A_57, %arg3[%swap3A_58, %swap3A_59] : memref<1x5xf32, #tpu.memory_space<smem>>
      %slice3A_61 = vector.extract_strided_slice %get3A_24 {offsets = [4, 0, 0], sizes = [1, 32, 256], strides = [1, 1, 1]} : vector<5x32x256xf32> to vector<1x32x256xf32>
      %squeeze3A_62 = vector.shape_cast %slice3A_61 : vector<1x32x256xf32> to vector<32x256xf32>
      %reduce_sum3A_63 = vector.shape_cast %squeeze3A_62 : vector<32x256xf32> to vector<1x32x256xf32>
      %reduce_sum3A_64 = arith.constant dense<0.000000e+00> : vector<1xf32>
      %reduce_sum3A_65 = vector.multi_reduction <add>, %reduce_sum3A_63, %reduce_sum3A_64 [1, 2] : vector<1x32x256xf32> to vector<1xf32>
      %reduce_sum3A_66 = vector.shape_cast %reduce_sum3A_65 : vector<1xf32> to vector<1x1x1xf32>
      %reduce_sum3A_67 = vector.extract %reduce_sum3A_66[0, 0, 0] : f32 from vector<1x1x1xf32>
      %swap3A_68 = arith.constant 0 : index
      %swap3A_69 = arith.constant 4 : index
      %swap3A_70 = memref.load %arg3[%swap3A_68, %swap3A_69] : memref<1x5xf32, #tpu.memory_space<smem>>
      memref.store %reduce_sum3A_67, %arg3[%swap3A_68, %swap3A_69] : memref<1x5xf32, #tpu.memory_space<smem>>
    } else {
    }
    return
  }
  func.func @transform_0(%arg0: i32) -> (i32, i32, i32) {
    %c0_i32 = arith.constant 0 : i32
    %c0_i32_0 = arith.constant 0 : i32
    %c0_i32_1 = arith.constant 0 : i32
    return %arg0, %c0_i32, %c0_i32_0 : i32, i32, i32
  }
  func.func @transform_1(%arg0: i32) -> (i32, i32, i32) {
    %c0_i32 = arith.constant 0 : i32
    %c0_i32_0 = arith.constant 0 : i32
    %c0_i32_1 = arith.constant 0 : i32
    return %arg0, %c0_i32, %c0_i32_0 : i32, i32, i32
  }
  func.func @transform_2(%arg0: i32) -> (i32, i32) {
    %c0_i32 = arith.constant 0 : i32
    %c0_i32_0 = arith.constant 0 : i32
    %c0_i32_1 = arith.constant 0 : i32
    return %c0_i32, %c0_i32_0 : i32, i32
  }
}

</mosaic_0001>

<sc_bundles>
// kernel: kernel.4.cloned.1.call-start
scs
__scs_entry_jumppad:
0x0: {  	(pc) =	sbr.rel $0x88, $3  }
0x1: {  	(tag) =	ssettag $0x0;
	lr =	simm.s32 $0x1  }
0x2: {  	[smem:$0x3F9F] =	sst lr;
	_ =	strace $0xD0000000  }
0x3: {  	_ = 	snop  }
0x4: {  	_ = 	snop  }
0x5: {  	_ = 	snop  }
0x6: {  	_ = 	snop  }
0x7: {  	_ = 	snop  }
__scs_overlays_trampoline_lowered:
0x8: {  	[smem:$0x3FAE] =	sst s0  }
0x9: {  	[smem:$0x3FAF] =	sst s1  }
0xa: {  	[smem:$0x3FB0] =	sst s2  }
0xb: {  	[smem:$0x3FB1] =	sst s3  }
0xc: {  	[smem:$0x3FB2] =	sst s4  }
0xd: {  	[smem:$0x3FB3] =	sst s5  }
0xe: {  	[smem:$0x3FB4] =	sst s6  }
0xf: {  	[smem:$0x3FB5] =	sst s7  }
0x10: {  	[smem:$0x3FB6] =	sst s8  }
0x11: {  	[smem:$0x3FB7] =	sst s9;
	s0 =	simm.s32 @!p0 $0x0  }
0x12: {  	s1 =	sld [smem:$0x3F9D];
	s0 =	simm.s32 @p0 $0x1  }
0x13: {  	[smem:$0x3FB8] =	sst s0;
	s0 =	simm.s32 @!p1 $0x0  }
0x14: {  	s2 =	sld [smem:$0x3F9C];
	s0 =	simm.s32 @p1 $0x1  }
0x15: {  	[smem:$0x3FB9] =	sst s0;
	s0 =	simm.s32 @!p2 $0x0  }
0x16: {  	s3 =	sld [smem:$0x3FDB];
	s0 =	simm.s32 @p2 $0x1  }
0x17: {  	s4 =	simm.s32 $0x1BF5;
	[smem:$0x3FBB] =	sst s0  }
0x18: {  	s0 =	sld [smem:$0x3F9E];
	_ =	swait.ge [sflag:s4], $0x0  }
0x19: {  	s7 =	sld [smem:$0x3F9F]  }
0x1a: {  	s8 =	sadd.s32 $0xFFFFE003, lr  }
0x1b: {  	s9 =	sadd.s32 $0xFFFFFEF7, lr;
	s5 =	simm.s32 $0xFFFFFFFF;
	p2 =	slt.u32 s8, $0xFFFFF086  }
0x1c: {  	p1 =	slt.u32 s9, $0xF7A;
	s5 =	simm.s32 @!p2 $0x0  }
0x1d: {  	s5 =	simm.s32 @p1 $0x1;
	p0 =	seq.s32 s7, s2  }
0x1e: {  	s7 =	smul.u32 @!p0 $0xF7A, s2;
	p2 =	seq.s32 @!p0 s5, $0x0  }
0x1f: {  	s9 =	smul.u32 $0xF7A, s1;
	s8 =	simm.s32 @!p0 $0x1BF5;
	p2 =	por !p2, p0  }
0x20: {  	[sflag:s8] =	ssyncset.s32 @!p0 $0xFFFFF086;
	s6 =	sadd.s32 @!p0 s3, s7;
	s7 =	simm.s32 @!p0 $0x108  }
0x21: {  	s3 =	sadd.s32 s3, s9;
	s6 =	sadd.s32 @!p0 $0x88, s6;
	s7 =	simm.s32 @p2 $0x1082  }
0x22: {  	[simem:s7], [sflag:s8] =	dma.local @!p0 [hbm:s6], $0xF7A  }
0x23: {  	s9 =	sor.u32 $0xD0000000, s2;
	s6 =	simm.s32 $0x108;
	_ =	swait.ge @!p0 [sflag:s8], $0x0  }
0x24: {  	s3 =	sadd.s32 $0x88, s3;
	s6 =	simm.s32 @!p1 $0x1082;
	[sflag:s4] =	ssyncset.s32 $0xFFFFF086  }
0x25: {  	[simem:s6], [sflag:s4] =	dma.local [hbm:s3], $0xF7A  }
0x26: {  	[smem:$0x3F9F] =	sst s1;
	(tag) =	ssettag s2;
	_ =	strace s9  }
0x27: {  	s1 =	sld [smem:$0x3FAF]  }
0x28: {  	s2 =	sld [smem:$0x3FB0]  }
0x29: {  	s4 =	sld [smem:$0x3FB2]  }
0x2a: {  	p0 =	seq.s32 s5, $0x0;
	s5 =	sld [smem:$0x3FB3]  }
0x2b: {  	s6 =	sld [smem:$0x3FB4]  }
0x2c: {  	s7 =	sld [smem:$0x3FB5]  }
0x2d: {  	s3 =	simm.s32 $0x108;
	s8 =	sld [smem:$0x3FB6]  }
0x2e: {  	s3 =	simm.s32 @!p0 $0x1082;
	s9 =	sld [smem:$0x3FB7]  }
0x2f: {  	lr =	sadd.s32 s0, s3;
	s0 =	sld [smem:$0x3FAE]  }
0x30: {  	s3 =	sld [smem:$0x3FB1]  }
0x31: {  	[smem:$0x3FBA] =	sst s10  }
0x32: {  	s10 =	sld [smem:$0x3FB8];
	_ =	sdelay $0x3  }
0x33: {  	p0 =	seq.s32 s10, $0x1;
	s10 =	sld [smem:$0x3FBA];
	_ =	sdelay $0x3  }
0x34: {  	[smem:$0x3FBA] =	sst s10  }
0x35: {  	s10 =	sld [smem:$0x3FB9];
	_ =	sdelay $0x3  }
0x36: {  	p1 =	seq.s32 s10, $0x1;
	s10 =	sld [smem:$0x3FBA];
	_ =	sdelay $0x3  }
0x37: {  	[smem:$0x3FBA] =	sst s10  }
0x38: {  	s10 =	sld [smem:$0x3FBB]  }
0x39: {  	_ = 	snop;
	(pc) =	sbr.ind lr, $3  }
0x3a: {  	_ = 	snop  }
0x3b: {  	_ = 	snop  }
0x3c: {  	p2 =	seq.s32 s10, $0x1;
	s10 =	sld [smem:$0x3FBA]  }
0x3d: {  	_ =	shalt  }
0x3e: {  	_ =	shalt  }
0x3f: {  	_ =	shalt  }
0x40: {  	_ =	shalt  }
0x41: {  	_ =	shalt  }
0x42: {  	_ =	shalt  }
0x43: {  	_ =	shalt  }
0x44: {  	_ =	shalt  }
0x45: {  	_ =	shalt  }
0x46: {  	_ =	shalt  }
0x47: {  	_ =	shalt  }
0x48: {  	_ =	shalt  }
0x49: {  	_ =	shalt  }
0x4a: {  	_ =	shalt  }
0x4b: {  	_ =	shalt  }
0x4c: {  	_ =	shalt  }
0x4d: {  	_ =	shalt  }
0x4e: {  	_ =	shalt  }
0x4f: {  	_ =	shalt  }
0x50: {  	_ =	shalt  }
0x51: {  	_ =	shalt  }
0x52: {  	_ =	shalt  }
0x53: {  	_ =	shalt  }
0x54: {  	_ =	shalt  }
0x55: {  	_ =	shalt  }
0x56: {  	_ =	shalt  }
0x57: {  	_ =	shalt  }
0x58: {  	_ =	shalt  }
0x59: {  	_ =	shalt  }
0x5a: {  	_ =	shalt  }
0x5b: {  	_ =	shalt  }
0x5c: {  	_ =	shalt  }
0x5d: {  	_ =	shalt  }
0x5e: {  	_ =	shalt  }
0x5f: {  	_ =	shalt  }
0x60: {  	_ =	shalt  }
0x61: {  	_ =	shalt  }
0x62: {  	_ =	shalt  }
0x63: {  	_ =	shalt  }
0x64: {  	_ =	shalt  }
0x65: {  	_ =	shalt  }
0x66: {  	_ =	shalt  }
0x67: {  	_ =	shalt  }
0x68: {  	_ =	shalt  }
0x69: {  	_ =	shalt  }
0x6a: {  	_ =	shalt  }
0x6b: {  	_ =	shalt  }
0x6c: {  	_ =	shalt  }
0x6d: {  	_ =	shalt  }
0x6e: {  	_ =	shalt  }
0x6f: {  	_ =	shalt  }
0x70: {  	_ =	shalt  }
0x71: {  	_ =	shalt  }
0x72: {  	_ =	shalt  }
0x73: {  	_ =	shalt  }
0x74: {  	_ =	shalt  }
0x75: {  	_ =	shalt  }
0x76: {  	_ =	shalt  }
0x77: {  	_ =	shalt  }
0x78: {  	_ =	shalt  }
0x79: {  	_ =	shalt  }
0x7a: {  	_ =	shalt  }
0x7b: {  	_ =	shalt  }
0x7c: {  	_ =	shalt  }
0x7d: {  	_ =	shalt  }
0x7e: {  	_ =	shalt  }
0x7f: {  	_ =	shalt  }
0x80: {  	_ =	shalt  }
0x81: {  	_ =	shalt  }
0x82: {  	_ =	shalt  }
0x83: {  	_ =	shalt  }
0x84: {  	_ =	shalt  }
0x85: {  	_ =	shalt  }
0x86: {  	_ =	shalt  }
0x87: {  	_ =	shalt  }
.Lfunc_end0:
.L_simem_size_0:
called_computation_lowered:
.L_overlay_start_0:
0x88: {  	s2 =	sld [smem:$0x3FD9]  }
0x89: {  	s3 =	sld [smem:$0x3FFE];
	_ =	sdelay $0x1  }
0x8a: {  	s1 =	srdreg.scid  }
0x8b: {  	s0 =	sand.u32 $0x1, s1  }
0x8c: {  	s17 =	sshll.u32 s0, $0xA;
	s2 =	sadd.s32 s3, s2  }
0x8d: {  	s2 =	sadd.s32 s2, s17  }
0x8e: {  	[smem:$0x3FC6] =	sst s2  }
0x8f: {  	_ = 	snop  }
0x90: {  	s2 =	sld [smem:$0x3FC9]  }
0x91: {  	s18 =	sld [smem:$0x3FC8];
	(tm) =	ssettm $0x1  }
0x92: {  	s4 =	sld [smem:$0x3FFB];
	_ =	sdelay $0x3  }
0x93: {  	_ =	strace s4  }
0x94: {  	s4 =	sld [smem:$0x3FFC];
	_ =	sdelay $0x3  }
0x95: {  	_ =	strace s4  }
0x96: {  	s4 =	sld [smem:$0x3FFD];
	_ =	sdelay $0x3  }
0x97: {  	_ =	strace s4  }
0x98: {  	_ =	strace $0x8FFFFFFF  }
0x99: {  	s19 =	sld [smem:$0x3FDB];
	_ =	sdelay $0x1  }
0x9a: {  	s5 =	simm.s32 $_scs_section_size  }
0x9b: {  	s6 =	simm.s32 $_size__tile_overlayer_lowered;
	s7 =	simm.s32 $_tile_overlayer_lowered  }
0x9c: {  	s22 =	simm.s32 $0x1BFF;
	s21 =	sshll.u32 s7, $0x1;
	s4 =	sadd.s32 s5, s19  }
0x9d: {  	s8 =	simm.s32 $0x0;
	s20 =	sshll.u32 s6, $0x1;
	s6 =	sadd.s32 s21, s4  }
0x9e: {  	[timem:s8], [sflag:s22] =	dma.local [hbm:s6], s20  }
0x9f: {  	_ =	swait.ge [sflag:s22], s20  }
0xa0: {  	s5 =	ssub.s32 $0x0, s20;
	[sflag:s22] =	ssyncset.done $0x0  }
0xa1: {  	[sflag:s22] =	ssyncadd.s32 s5;
	_ =	sdelay $0x1  }
0xa2: {  	s23 =	simm.s32 $0x1B8B  }
0xa3: {  	_ =	swait.ge [sflag:s23], $0x1  }
0xa4: {  	[sflag:s23] =	ssyncset.done $0x0  }
0xa5: {  	s25 =	simm.s32 $0x1B8E;
	s24 =	sld [smem:$0x3FFE];
	[sflag:s23] =	ssyncadd.s32 $0xFFFFFFFF  }
0xa6: {  	s26 =	simm.s32 $execute0_lowered;
	[smem:$0x3FD2] =	sst s25  }
0xa7: {  	s6 =	sshll.u32 s26, $0x1;
	_ =	strace $0x80000046;
	[dreg:$0x1] =	wrdreg $0xFFFFFFFF  }
0xa8: {  	s28 =	simm.s32 $_size_execute0_lowered;
	s4 =	sadd.s32 s4, s6;
	[dreg:$0x0] =	wrdreg $0x0  }
0xa9: {  	s6 =	sshll.u32 s28, $0x1;
	[dreg:$0x2] =	wrdreg s4  }
0xaa: {  	[dreg:$0x3] =	wrdreg s6  }
0xab: {  	[dreg:$0x4] =	wrdreg $0xC0  }
0xac: {  	_ =	task [dreg:s8], $0x5FFFF  }
0xad: {  	[dreg:$0x1] =	wrdreg $0xFFFFFFFF  }
0xae: {  	[dreg:$0x0] =	wrdreg $0x60  }
0xaf: {  	[dreg:$0x2] =	wrdreg s2  }
0xb0: {  	[dreg:$0x3] =	wrdreg s18  }
0xb1: {  	[dreg:$0x4] =	wrdreg s24  }
0xb2: {  	[dreg:$0x5] =	wrdreg $0x9  }
0xb3: {  	_ =	task.clear_ibuf [dreg:s8], $0x6FFFF;
	_ =	strace $0x90000046  }
0xb4: {  	s29 =	simm.s32 $0x9;
	_ =	strace $0x80000048  }
0xb5: {  	_ =	swait.ge [sflag:s29], $0x1  }
0xb6: {  	[sflag:s29] =	ssyncadd.s32 $0xFFFFFFFF  }
0xb7: {  	_ =	strace $0x90000048  }
0xb8: {  	_ =	sfence  }
0xb9: {  	s30 =	sld [smem:$0x0];
	_ =	sdelay $0x2  }
0xba: {  	s31 =	sshll.u32 s1, $0xD;
	s1 =	sshrl.u32 s1, $0x2  }
0xbb: {  	s3 =	sand.u32 $0x4000, s31;
	s1 =	sadd.s32 s1, s30  }
0xbc: {  	s0 =	sor.u32 s3, s0;
	s1 =	sshll.u32 s1, $0x11  }
0xbd: {  	s0 =	sor.u32 s1, s0  }
0xbe: {  	s0 =	sadd.s32 $0x8F2B, s0  }
0xbf: {  	[sflag:s0] =	ssyncadd.remote.s32 $0x1  }
0xc0: {  	_ =	sfence.sel $0xFFFF  }
0xc1: {  	[dreg:$0x0] =	wrdreg $0xFFFFFFFF;
	(pc) =	sbr.abs _section_cstart, $3  }
0xc2: {  	[dreg:$0x1] =	wrdreg $0xFFFFFFFF  }
0xc3: {  	_ =	task.clear_ibuf [dreg:s8], $0x2FFFF;
	_ =	strace $0x9FFFFFFF  }
0xc4: {  	(tm) =	ssettm $0x7FFFFFFF  }
0xc5: {  	_ =	shalt  }
tec
execute0_lowered:
.L_overlay_start_1:
0x0: {  	(tag) =	ssettag $0x1  }
0x1: {  	s3 =	rddreg [dreg:$0x0]  }
0x2: {  	s4 =	rddreg [dreg:$0x1];
	s1 =	srdreg.scid  }
0x3: {  	s0 =	stileid.u32;
	s5 =	rddreg [dreg:$0x2];
	s10 =	simm.s32 $0x8000  }
0x4: {  	s11 =	simm.s32 $0x3;
	s12 =	simm.s32 $0x0;
	s6 =	sand.u32 $0x1, s1  }
0x5: {  	s2 =	sshll.u32 s0, $0x1;
	s1 =	rddreg [dreg:$0x3];
	s8 =	sshll.u32 s0, $0xB  }
0x6: {  	s7 =	sor.u32 s6, s2;
	s2 =	simm.s32 $0x0;
	s8 =	sand.u32 $0x6000, s8  }
0x7: {  	s6 =	ssub.s32 $0x2, s6;
	s9 =	sshll.u32 s7, $0xA;
	[smem:$0x7FF] =	sst s2  }
0x8: {  	s7 =	sshll.u32 s7, $0x7;
	s31 =	sshrl.u32 s6, $0x1;
	s9 =	sand.u32 $0x1C00, s9  }
0x9: {  	_ =	strace $0x80000047;
	s5 =	sadd.s32 s7, s5;
	s6 =	ssub.s32 s6, s31  }
0xa: {  	s7 =	simm.s32 $0x4000;
	s8 =	sor.u32 s9, s8;
	s5 =	sadd.s32 $0x600, s5  }
0xb: {  	s6 =	smax.u32 s6, $0x1;
	s9 =	simm.s32 $0x2;
	s8 =	sor.u32 $0x78000, s8  }
0xc: {  	s3 =	sadd.s32 s3, s8;
	s4 =	sadd.s32 s4, s8;
	s8 =	simm.s32 $0x1  }
.LBB2_1:
0xd: {  	[tilespmem:s2], [sflag:$0x1] =	stream.linear.gather [hbm4b:s3+s2], $0x2000, $0x38;
	[tilespmem:$0x8400] =	vst v63  }
0xe: {  	_ = 	snop  }
0xf: {  	[tilespmem:s7], [sflag:$0x2] =	stream.linear.gather [hbm4b:s4+s2], $0x2000, $0x38;
	[tilespmem:$0x8400] =	vst v63  }
0x10: {  	_ =	swait.ge [sflag:s8], $0x2000  }
0x11: {  	[sflag:s8] =	ssyncset.done $0x0  }
0x12: {  	[sflag:s8] =	ssyncadd.s32 $0xFFFFE000  }
0x13: {  	_ =	swait.ge [sflag:s9], $0x2000  }
0x14: {  	s13 =	sand.u32 $0x1800, s2;
	s14 =	sand.u32 $0x380, s2;
	[sflag:s9] =	ssyncset.done $0x0  }
0x15: {  	s13 =	sor.u32 s14, s13;
	[sflag:s9] =	ssyncadd.s32 $0xFFFFE000  }
0x16: {  	v1 =	vld [tilespmem:s13+$0x470]  }
0x17: {  	v0 =	vld [tilespmem:s13+$0x460]  }
0x18: {  	v2 =	vld [tilespmem:s13+$0x450]  }
0x19: {  	v3 =	vld [tilespmem:s13+$0x440]  }
0x1a: {  	v4 =	vld [tilespmem:s13+$0x430]  }
0x1b: {  	v5 =	vld [tilespmem:s13+$0x420];
	v36 =	vadd.f32 $9.999999740e-06, v1  }
0x1c: {  	v6 =	vld [tilespmem:s13+$0x410];
	v20 =	vadd.f32 $9.999999740e-06, v0;
	v37 =	vsub.f32 $1.000010010e+00, v1  }
0x1d: {  	v59 =	vld [tilespmem:s13+$0x400];
	v21 =	vadd.f32 $9.999999740e-06, v2;
	v35 =	vsub.f32 $1.000010010e+00, v0  }
0x1e: {  	v60 =	vld [tilespmem:s13+$0x70];
	v22 =	vadd.f32 $9.999999740e-06, v3;
	v34 =	vsub.f32 $1.000010010e+00, v2  }
0x1f: {  	v61 =	vld [tilespmem:s13+$0x60];
	v33 =	vadd.f32 $9.999999740e-06, v4;
	v32 =	vsub.f32 $1.000010010e+00, v3  }
0x20: {  	v62 =	vld [tilespmem:s13+$0x50];
	v31 =	vadd.f32 $9.999999740e-06, v5;
	v30 =	vsub.f32 $1.000010010e+00, v4  }
0x21: {  	v63 =	vld [tilespmem:s13+$0x40];
	v26 =	vadd.f32 $9.999999740e-06, v6;
	v29 =	vsub.f32 $1.000010010e+00, v5  }
0x22: {  	v25 =	vadd.f32 $9.999999740e-06, v59;
	v27 =	vsub.f32 $1.000010010e+00, v6  }
0x23: {  	v24 =	vadd.f32 $9.999999740e-06, v60;
	v28 =	vsub.f32 $1.000010010e+00, v59  }
0x24: {  	v23 =	vadd.f32 $9.999999740e-06, v61;
	v10 =	vsub.f32 $1.000010010e+00, v60  }
0x25: {  	v9 =	vadd.f32 $9.999999740e-06, v62;
	v8 =	vsub.f32 $1.000010010e+00, v61  }
0x26: {  	[tilespmem:$0x1FF20] =	vst v6;
	v6 =	vadd.f32 $9.999999740e-06, v63;
	v7 =	vsub.f32 $1.000010010e+00, v62  }
0x27: {  	[tilespmem:$0x1FF00] =	vst v4;
	v4 =	vsub.f32 $1.000010010e+00, v63;
	v13 =	vand.u32 $0x7FFFFF, v36;
	v38 =	vand.u32 $0x7FFFFF, v37  }
0x28: {  	v39 =	vand.u32 $0x7FFFFF, v20;
	v40 =	vand.u32 $0x7FFFFF, v35;
	v41 =	vand.u32 $0x7FFFFF, v22  }
0x29: {  	v42 =	vand.u32 $0x7FFFFF, v21;
	v43 =	vand.u32 $0x7FFFFF, v34;
	v44 =	vand.u32 $0x7FFFFF, v33  }
0x2a: {  	v45 =	vand.u32 $0x7FFFFF, v30;
	v46 =	vand.u32 $0x7FFFFF, v32;
	v47 =	vand.u32 $0x7FFFFF, v26  }
0x2b: {  	v48 =	vand.u32 $0x7FFFFF, v31;
	v49 =	vand.u32 $0x7FFFFF, v29;
	v50 =	vand.u32 $0x7FFFFF, v25  }
0x2c: {  	v51 =	vand.u32 $0x7FFFFF, v28;
	v52 =	vand.u32 $0x7FFFFF, v27;
	v20 =	vcvt.s32.f32 v20  }
0x2d: {  	v53 =	vand.u32 $0x7FFFFF, v23;
	v21 =	vcvt.s32.f32 v21;
	v22 =	vcvt.s32.f32 v22  }
0x2e: {  	v54 =	vand.u32 $0x7FFFFF, v24;
	v31 =	vcvt.s32.f32 v31;
	v30 =	vcvt.s32.f32 v30  }
0x2f: {  	v55 =	vand.u32 $0x7FFFFF, v10;
	v26 =	vcvt.s32.f32 v26;
	v25 =	vcvt.s32.f32 v25  }
0x30: {  	v56 =	vand.u32 $0x7FFFFF, v9;
	v24 =	vcvt.s32.f32 v24;
	v23 =	vcvt.s32.f32 v23  }
0x31: {  	v10 =	vcvt.s32.f32 v10;
	v13 =	vor.u32 $0x3F800000, v13;
	v38 =	vor.u32 $0x3F800000, v38  }
0x32: {  	v42 =	vor.u32 $0x3F800000, v42;
	v57 =	vor.u32 $0x3F800000, v39;
	v58 =	vor.u32 $0x3F800000, v40  }
0x33: {  	[tilespmem:$0x1FEC0] =	vst v1;
	v41 =	vor.u32 $0x3F800000, v41;
	v46 =	vor.u32 $0x3F800000, v46;
	v43 =	vor.u32 $0x3F800000, v43  }
0x34: {  	[tilespmem:$0x1FEE0] =	vst v2;
	v48 =	vor.u32 $0x3F800000, v48;
	v44 =	vor.u32 $0x3F800000, v44;
	v45 =	vor.u32 $0x3F800000, v45  }
0x35: {  	[tilespmem:$0x1FF10] =	vst v5;
	v47 =	vor.u32 $0x3F800000, v47;
	v52 =	vor.u32 $0x3F800000, v52;
	v49 =	vor.u32 $0x3F800000, v49  }
0x36: {  	[tilespmem:$0x1FF30] =	vst v59;
	v54 =	vor.u32 $0x3F800000, v54;
	v50 =	vor.u32 $0x3F800000, v50;
	v1 =	vmul.f32 $1.291111000e+06, v13  }
0x37: {  	[tilespmem:$0x1FF40] =	vst v60;
	v51 =	vor.u32 $0x3F800000, v51;
	v2 =	vmul.f32 $1.291111000e+06, v38;
	v59 =	vmul.f32 $1.291111000e+06, v57  }
0x38: {  	v5 =	vld [tilespmem:s13+$0x30];
	[tilespmem:$0x1FF50] =	vst v61;
	v53 =	vor.u32 $0x3F800000, v53;
	v60 =	vmul.f32 $1.291111000e+06, v58;
	v61 =	vmul.f32 $1.291111000e+06, v42  }
0x39: {  	[tilespmem:$0x1FF60] =	vst v62;
	v55 =	vor.u32 $0x3F800000, v55;
	v62 =	vmul.f32 $1.291111000e+06, v41;
	v11 =	vmul.f32 $1.291111000e+06, v43  }
0x3a: {  	[tilespmem:$0x1FF70] =	vst v63;
	v63 =	vmul.f32 $1.291111000e+06, v44;
	v39 =	vadd.f32 $-8.635956000e+06, v1;
	v40 =	vadd.f32 $-8.635956000e+06, v2  }
0x3b: {  	v14 =	vmul.f32 $1.291111000e+06, v49;
	v59 =	vadd.f32 $-8.635956000e+06, v59;
	v60 =	vadd.f32 $-8.635956000e+06, v60  }
0x3c: {  	v61 =	vadd.f32 $-8.635956000e+06, v61;
	v39 =	vmul.f32 v13, v39;
	v40 =	vmul.f32 v38, v40  }
0x3d: {  	[tilespmem:$0x1FEF0] =	vst v3;
	v3 =	vadd.f32 $9.999999740e-06, v5;
	v59 =	vmul.f32 v57, v59;
	v60 =	vmul.f32 v58, v60  }
0x3e: {  	v1 =	vmul.f32 v42, v61;
	v39 =	vadd.f32 $1.686712600e+07, v39;
	v40 =	vadd.f32 $1.686712600e+07, v40  }
0x3f: {  	[tilespmem:$0x1FED0] =	vst v0;
	v2 =	vmul.f32 $1.291111000e+06, v46;
	v0 =	vadd.f32 $1.686712600e+07, v59;
	v60 =	vadd.f32 $1.686712600e+07, v60  }
0x40: {  	v59 =	vadd.f32 $1.686712600e+07, v1;
	v1 =	vmul.f32 $1.291111000e+06, v45;
	v39 =	vmul.f32 v13, v39  }
0x41: {  	v62 =	vadd.f32 $-8.635956000e+06, v62;
	v40 =	vmul.f32 v38, v40;
	v57 =	vmul.f32 v57, v0  }
0x42: {  	v13 =	vadd.f32 $-8.635956000e+06, v11;
	v38 =	vmul.f32 v58, v60;
	v58 =	vmul.f32 $1.291111000e+06, v48  }
0x43: {  	v11 =	vadd.f32 $-8.635956000e+06, v2;
	v0 =	vmul.f32 v41, v62;
	v59 =	vmul.f32 v42, v59  }
0x44: {  	v2 =	vadd.f32 $-8.635956000e+06, v63;
	v42 =	vadd.f32 $-8.635956000e+06, v1;
	v13 =	vmul.f32 v43, v13  }
0x45: {  	v60 =	vmul.f32 v46, v11;
	v61 =	vadd.f32 $1.686712600e+07, v0;
	v11 =	vmul.f32 $1.291111000e+06, v47  }
0x46: {  	v62 =	vmul.f32 v44, v2;
	v58 =	vadd.f32 $-8.635956000e+06, v58;
	v42 =	vmul.f32 v45, v42  }
0x47: {  	v0 =	vmul.f32 $1.291111000e+06, v50;
	v57 =	vadd.f32 $-9.511084000e+06, v57;
	v40 =	vadd.f32 $-9.511084000e+06, v40  }
0x48: {  	v2 =	vmul.f32 $1.291111000e+06, v52;
	v13 =	vadd.f32 $1.686712600e+07, v13;
	v12 =	vadd.f32 $1.686712600e+07, v60  }
0x49: {  	v60 =	vmul.f32 v41, v61;
	v1 =	vadd.f32 $1.686712600e+07, v62;
	v41 =	vadd.f32 $-8.635956000e+06, v14  }
0x4a: {  	v58 =	vmul.f32 v48, v58;
	v42 =	vadd.f32 $1.686712600e+07, v42;
	v62 =	vmul.f32 $1.291111000e+06, v53  }
0x4b: {  	v57 =	vadd.f32 v20, v57;
	v20 =	vcvt.s32.f32 v35;
	v63 =	vmul.f32 v43, v13  }
0x4c: {  	v43 =	vmul.f32 v46, v12;
	v61 =	vmul.f32 v44, v1;
	v13 =	vadd.f32 $-8.635956000e+06, v11  }
0x4d: {  	v41 =	vmul.f32 v49, v41;
	v58 =	vadd.f32 $1.686712600e+07, v58;
	v45 =	vmul.f32 v45, v42  }
0x4e: {  	v42 =	vmul.f32 $1.291111000e+06, v54;
	v44 =	vadd.f32 $-8.635956000e+06, v2;
	v11 =	vmul.f32 $1.291111000e+06, v51  }
0x4f: {  	v46 =	vadd.f32 $-8.635956000e+06, v0;
	v1 =	vmul.f32 $1.291111000e+06, v55;
	v12 =	vadd.f32 $-9.511084000e+06, v38  }
0x50: {  	v13 =	vmul.f32 v47, v13;
	v48 =	vmul.f32 v48, v58;
	v41 =	vadd.f32 $1.686712600e+07, v41  }
0x51: {  	v0 =	vmul.f32 v52, v44;
	v2 =	vadd.f32 $-8.635956000e+06, v11;
	v42 =	vadd.f32 $-8.635956000e+06, v42  }
0x52: {  	v46 =	vmul.f32 v50, v46;
	v61 =	vadd.f32 $-9.511084000e+06, v61;
	v13 =	vadd.f32 $1.686712600e+07, v13  }
0x53: {  	v44 =	vmul.f32 v49, v41;
	v11 =	vadd.f32 $1.686712600e+07, v0;
	v41 =	vadd.f32 $-8.635956000e+06, v1  }
0x54: {  	v49 =	vmul.f32 v51, v2;
	v46 =	vadd.f32 $1.686712600e+07, v46;
	v42 =	vmul.f32 v54, v42  }
0x55: {  	v0 =	vand.u32 $0x7FFFFF, v8;
	v1 =	vand.u32 $0x7FFFFF, v3;
	v2 =	vand.u32 $0x7FFFFF, v6  }
0x56: {  	v47 =	vmul.f32 v47, v13;
	v58 =	vmul.f32 v52, v11;
	v52 =	vand.u32 $0x7FFFFF, v7  }
0x57: {  	v41 =	vmul.f32 v55, v41;
	v13 =	vadd.f32 $-8.635956000e+06, v62;
	v49 =	vadd.f32 $1.686712600e+07, v49  }
0x58: {  	v46 =	vmul.f32 v50, v46;
	v42 =	vadd.f32 $1.686712600e+07, v42;
	v50 =	vor.u32 $0x3F800000, v0  }
0x59: {  	v11 =	vand.u32 $0x7FFFFF, v4;
	v52 =	vor.u32 $0x3F800000, v52;
	v0 =	vmul.f32 $1.291111000e+06, v50  }
0x5a: {  	v41 =	vadd.f32 $1.686712600e+07, v41;
	v49 =	vmul.f32 v51, v49;
	v13 =	vmul.f32 v53, v13  }
0x5b: {  	v62 =	vmul.f32 v54, v42;
	v54 =	vor.u32 $0x3F800000, v56;
	v42 =	vor.u32 $0x3F800000, v2  }
0x5c: {  	v56 =	vor.u32 $0x3F800000, v11;
	v51 =	vor.u32 $0x3F800000, v1;
	v2 =	vmul.f32 $1.291111000e+06, v52  }
0x5d: {  	v58 =	vadd.f32 $-9.511084000e+06, v58;
	v1 =	vmul.f32 $1.291111000e+06, v54;
	v14 =	vmul.f32 $1.291111000e+06, v42  }
0x5e: {  	v15 =	vadd.f32 $-8.635956000e+06, v0;
	v11 =	vmul.f32 $1.291111000e+06, v51;
	v13 =	vadd.f32 $1.686712600e+07, v13  }
0x5f: {  	v55 =	vmul.f32 v55, v41;
	v41 =	vadd.f32 $-8.635956000e+06, v1;
	v14 =	vadd.f32 $-8.635956000e+06, v14  }
0x60: {  	v15 =	vmul.f32 v50, v15;
	v1 =	vadd.f32 $-8.635956000e+06, v11;
	v11 =	vcvt.s32.f32 v37  }
0x61: {  	v17 =	vmul.f32 v53, v13;
	v13 =	vmul.f32 $1.291111000e+06, v56;
	v53 =	vadd.f32 $-8.635956000e+06, v2  }
0x62: {  	v41 =	vmul.f32 v54, v41;
	v14 =	vmul.f32 v42, v14;
	v15 =	vadd.f32 $1.686712600e+07, v15  }
0x63: {  	v1 =	vmul.f32 v51, v1;
	v13 =	vadd.f32 $-8.635956000e+06, v13;
	v17 =	vadd.f32 $-9.511084000e+06, v17  }
0x64: {  	v0 =	vld [tilespmem:s13+$0x20];
	v53 =	vmul.f32 v52, v53;
	v41 =	vadd.f32 $1.686712600e+07, v41;
	v14 =	vadd.f32 $1.686712600e+07, v14  }
0x65: {  	v18 =	vmul.f32 v50, v15;
	v50 =	vsub.f32 $1.000010010e+00, v5;
	v1 =	vadd.f32 $1.686712600e+07, v1  }
0x66: {  	[tilespmem:$0x1FF80] =	vst v5;
	v5 =	vcvt.s32.f32 v36;
	v16 =	vmul.f32 v56, v13;
	v53 =	vadd.f32 $1.686712600e+07, v53  }
0x67: {  	v13 =	vadd.f32 $-9.511084000e+06, v39;
	v41 =	vmul.f32 v54, v41;
	v2 =	vand.u32 $0x7FFFFF, v50  }
0x68: {  	v18 =	vadd.f32 $-9.511084000e+06, v18;
	v15 =	vadd.f32 $1.686712600e+07, v16;
	v19 =	vmul.f32 v52, v53  }
0x69: {  	v52 =	vmul.f32 v42, v14;
	v16 =	vmul.f32 v51, v1;
	v42 =	vadd.f32 $9.999999740e-06, v0  }
0x6a: {  	v1 =	vor.u32 $0x3F800000, v2;
	v53 =	vadd.f32 v11, v40;
	v11 =	vadd.f32 $-9.511084000e+06, v59  }
0x6b: {  	v51 =	vadd.f32 v5, v13;
	v5 =	vcvt.s32.f32 v34;
	v13 =	vadd.f32 $-9.511084000e+06, v60  }
0x6c: {  	v14 =	vadd.f32 $-9.511084000e+06, v63;
	v56 =	vmul.f32 v56, v15;
	v34 =	vadd.f32 v21, v11  }
0x6d: {  	v15 =	vmul.f32 $1.291111000e+06, v1;
	v63 =	vadd.f32 v22, v13;
	v11 =	vadd.f32 $-9.511084000e+06, v43  }
0x6e: {  	v54 =	vand.u32 $0x7FFFFF, v42;
	v43 =	vsub.f32 $1.000010010e+00, v0;
	v13 =	vadd.f32 $-9.511084000e+06, v45  }
0x6f: {  	v60 =	vld [tilespmem:s13+$0x0];
	v22 =	vcvt.s32.f32 v33;
	v19 =	vadd.f32 $-9.511084000e+06, v19;
	v16 =	vadd.f32 $-9.511084000e+06, v16  }
0x70: {  	v42 =	vcvt.s32.f32 v42;
	v39 =	vor.u32 $0x3F800000, v54;
	v15 =	vadd.f32 $-8.635956000e+06, v15  }
0x71: {  	v54 =	vadd.f32 v20, v12;
	v12 =	vadd.f32 $-9.511084000e+06, v48;
	v48 =	vcvt.s32.f32 v28  }
0x72: {  	v28 =	vadd.f32 $-9.511084000e+06, v46;
	v36 =	vadd.f32 v30, v13;
	v2 =	vmul.f32 v1, v15  }
0x73: {  	v59 =	vld [tilespmem:s13+$0x10];
	v30 =	vcvt.s32.f32 v27;
	v27 =	vadd.f32 $-9.511084000e+06, v44;
	v31 =	vadd.f32 v31, v12  }
0x74: {  	v45 =	vadd.f32 $9.999999740e-06, v60;
	v15 =	vmul.f32 $1.291111000e+06, v39;
	v35 =	vadd.f32 $1.686712600e+07, v2  }
0x75: {  	[tilespmem:$0x1FFB0] =	vst v60;
	v60 =	vsub.f32 $1.000010010e+00, v60;
	v12 =	vcvt.s32.f32 v9;
	v9 =	vcvt.s32.f32 v6  }
0x76: {  	v38 =	vadd.f32 v30, v58;
	v15 =	vadd.f32 $-8.635956000e+06, v15;
	v21 =	vmul.f32 v1, v35  }
0x77: {  	v35 =	vadd.f32 v5, v14;
	v5 =	vcvt.s32.f32 v32;
	v32 =	vadd.f32 v22, v61  }
0x78: {  	[tilespmem:$0x1FFA0] =	vst v59;
	v20 =	vmul.f32 v39, v15;
	v22 =	vadd.f32 $9.999999740e-06, v59;
	v59 =	vsub.f32 $1.000010010e+00, v59  }
0x79: {  	v14 =	vcvt.s32.f32 v29;
	v61 =	vadd.f32 $-9.511084000e+06, v62;
	v62 =	vand.u32 $0x7FFFFF, v45  }
0x7a: {  	v29 =	vadd.f32 $-9.511084000e+06, v47;
	v44 =	vor.u32 $0x3F800000, v62;
	v62 =	vcvt.s32.f32 v8  }
0x7b: {  	v8 =	vcvt.s32.f32 v7;
	v20 =	vadd.f32 $1.686712600e+07, v20;
	v33 =	vadd.f32 v5, v11  }
0x7c: {  	v29 =	vadd.f32 v26, v29;
	v26 =	vand.u32 $0x7FFFFF, v43;
	v37 =	vadd.f32 v14, v27  }
0x7d: {  	v27 =	vadd.f32 v25, v28;
	v25 =	vand.u32 $0x7FFFFF, v22;
	v30 =	vand.u32 $0x7FFFFF, v59  }
0x7e: {  	v28 =	vadd.f32 v24, v61;
	v24 =	vand.u32 $0x7FFFFF, v60;
	v5 =	vadd.f32 $-9.511084000e+06, v55  }
0x7f: {  	v13 =	vmul.f32 $1.291111000e+06, v44;
	v21 =	vadd.f32 $-9.511084000e+06, v21;
	v55 =	vadd.f32 $-1.065353220e+09, v53  }
0x80: {  	v22 =	vcvt.s32.f32 v22;
	v53 =	vsub.f32 v51, v53;
	v51 =	vadd.f32 $-1.065353220e+09, v35  }
0x81: {  	[tilespmem:$0x1FF90] =	vst v0;
	v0 =	vor.u32 $0x3F800000, v26;
	v26 =	vadd.f32 $-9.511084000e+06, v49;
	v1 =	vor.u32 $0x3F800000, v25  }
0x82: {  	v2 =	vor.u32 $0x3F800000, v30;
	v24 =	vor.u32 $0x3F800000, v24;
	v25 =	vadd.f32 v23, v17  }
0x83: {  	v40 =	vadd.f32 v62, v18;
	v62 =	vimm.f32 $0.0e+00;
	v20 =	vmul.f32 v39, v20  }
0x84: {  	v17 =	vmul.f32 $1.291111000e+06, v1;
	v39 =	vadd.f32 v10, v5;
	v23 =	vmul.f32 $1.291111000e+06, v2  }
0x85: {  	v14 =	vmul.f32 $1.291111000e+06, v24;
	v58 =	vadd.f32 $-8.635956000e+06, v13;
	v30 =	vadd.f32 v48, v26  }
0x86: {  	v26 =	vmul.f32 $1.291111000e+06, v0;
	v17 =	vadd.f32 $-8.635956000e+06, v17;
	v23 =	vadd.f32 $-8.635956000e+06, v23  }
0x87: {  	v10 =	vcvt.s32.f32 v4;
	v61 =	vadd.f32 $-8.635956000e+06, v14;
	v20 =	vadd.f32 $-9.511084000e+06, v20  }
0x88: {  	v13 =	vcvt.s32.f32 v43;
	v11 =	vadd.f32 $-8.635956000e+06, v26;
	v26 =	vadd.f32 $-9.511084000e+06, v41  }
0x89: {  	v14 =	vcvt.s32.f32 v59;
	v59 =	vimm.f32 $0.0e+00;
	v17 =	vmul.f32 v1, v17  }
0x8a: {  	v41 =	vmul.f32 v44, v58;
	v23 =	vmul.f32 v2, v23;
	v26 =	vadd.f32 v12, v26  }
0x8b: {  	v48 =	vmul.f32 v0, v11;
	v11 =	vcvt.s32.f32 v3;
	v17 =	vadd.f32 $1.686712600e+07, v17  }
0x8c: {  	v12 =	vcvt.s32.f32 v50;
	v18 =	vadd.f32 $1.686712600e+07, v23;
	v23 =	vadd.f32 $1.686712600e+07, v41  }
0x8d: {  	v49 =	vmul.f32 v24, v61;
	v41 =	vadd.f32 v42, v20;
	v48 =	vadd.f32 $1.686712600e+07, v48  }
0x8e: {  	v43 =	vadd.f32 v11, v16;
	v47 =	vadd.f32 v12, v21;
	v17 =	vmul.f32 v1, v17  }
0x8f: {  	v18 =	vmul.f32 v2, v18;
	v1 =	vadd.f32 $-9.511084000e+06, v52;
	v2 =	vadd.f32 $-9.511084000e+06, v56  }
0x90: {  	v23 =	vmul.f32 v44, v23;
	v56 =	vadd.f32 $-1.065353220e+09, v54;
	v52 =	vsub.f32 v57, v54  }
0x91: {  	v48 =	vmul.f32 v0, v48;
	v0 =	vadd.f32 $1.686712600e+07, v49;
	v49 =	vadd.f32 v8, v19  }
0x92: {  	v16 =	vcvt.s32.f32 v45;
	v17 =	vadd.f32 $-9.511084000e+06, v17;
	v23 =	vadd.f32 $-9.511084000e+06, v23  }
0x93: {  	v21 =	vld [tilespmem:s13+$0x4470];
	v18 =	vadd.f32 $-9.511084000e+06, v18;
	v50 =	vadd.f32 v10, v2;
	v24 =	vmul.f32 v24, v0  }
0x94: {  	[tilespmem:$0x1FFF0] =	vst v62;
	v61 =	vimm.f32 $0.0e+00;
	v5 =	vadd.f32 $-9.511084000e+06, v48;
	v19 =	vadd.f32 v22, v17;
	v22 =	vld [tilespmem:s13+$0x4460]  }
0x95: {  	[tilespmem:$0x1FFC0] =	vst v59;
	v20 =	vcvt.s32.f32 v60;
	v44 =	vadd.f32 v16, v23;
	v23 =	vld [tilespmem:s13+$0x4450];
	v24 =	vadd.f32 $-9.511084000e+06, v24  }
0x96: {  	[tilespmem:$0x1FFE0] =	vst v61;
	v60 =	vimm.f32 $0.0e+00;
	v48 =	vadd.f32 v9, v1;
	v42 =	vadd.f32 v14, v18;
	v16 =	vld [tilespmem:s13+$0x4440]  }
0x97: {  	s15 =	simm.s32 $0x0;
	s14 =	simm.s32 $0x100;
	v58 =	vimm.f32 $0.0e+00;
	[tilespmem:$0x1FFD0] =	vst v60;
	v17 =	vld [tilespmem:s13+$0x4430];
	v45 =	vadd.f32 v13, v5;
	v46 =	vadd.f32 v20, v24  }
.LBB2_2:
0x98: {  	v4 =	vld [tilespmem:$0x1FFB0]  }
0x99: {  	v20 =	vld [tilespmem:s13+$0x4420]  }
0x9a: {  	v24 =	vld [tilespmem:s13+$0x4410]  }
0x9b: {  	v1 =	vld [tilespmem:$0x1FFA0]  }
0x9c: {  	v54 =	vld [tilespmem:s13+$0x4400]  }
0x9d: {  	v5 =	vld [tilespmem:s13+$0x4070]  }
0x9e: {  	v14 =	vadd.f32 $-1.065353220e+09, v36;
	v13 =	vld [tilespmem:$0x1FF90]  }
0x9f: {  	v32 =	vsub.f32 v32, v36;
	v36 =	vld [tilespmem:s13+$0x4060];
	v18 =	vadd.f32 v4, v58  }
0xa0: {  	v15 =	vadd.f32 $-1.065353220e+09, v33;
	v12 =	vld [tilespmem:$0x1FF80]  }
0xa1: {  	v34 =	vsub.f32 v34, v35;
	v61 =	vld [tilespmem:s13+$0x4050];
	v18 =	vadd.f32 v1, v18  }
0xa2: {  	v33 =	vsub.f32 v63, v33;
	v60 =	vadd.f32 $-1.065353220e+09, v38;
	v11 =	vld [tilespmem:$0x1FF70]  }
0xa3: {  	v38 =	vsub.f32 v29, v38;
	v6 =	vld [tilespmem:s13+$0x4030];
	v18 =	vadd.f32 v13, v18  }
0xa4: {  	v3 =	vadd.f32 $-1.065353220e+09, v49;
	v10 =	vld [tilespmem:$0x1FF60];
	v0 =	vcvt.s32.f32 v21;
	v21 =	vcvt.s32.f32 v17  }
0xa5: {  	v7 =	vld [tilespmem:s13+$0x4020];
	v17 =	vcvt.s32.f32 v20;
	v20 =	vsub.f32 v31, v37;
	v31 =	vadd.f32 v12, v18  }
0xa6: {  	v49 =	vsub.f32 v26, v49;
	v9 =	vld [tilespmem:$0x1FF50];
	v59 =	vadd.f32 $-1.065353220e+09, v37  }
0xa7: {  	v8 =	vld [tilespmem:$0x1FF40];
	v62 =	vadd.f32 $-1.065353220e+09, v30;
	v31 =	vadd.f32 v11, v31  }
0xa8: {  	v57 =	vld [tilespmem:$0x1FEE0];
	v30 =	vsub.f32 v27, v30;
	v2 =	vadd.f32 $-1.065353220e+09, v40  }
0xa9: {  	v28 =	vsub.f32 v28, v39;
	[tilespmem:$0x1FC80] =	vst v14;
	v14 =	vld [tilespmem:s13+$0x4040];
	v31 =	vadd.f32 v10, v31  }
0xaa: {  	v40 =	vsub.f32 v25, v40;
	v18 =	vcvt.s32.f32 v24;
	v24 =	vcvt.s32.f32 v54;
	v54 =	vld [tilespmem:s13+$0x4010]  }
0xab: {  	v48 =	vsub.f32 v48, v50;
	v25 =	vadd.f32 v9, v31;
	v31 =	vcvt.s32.f32 v7;
	v7 =	vld [tilespmem:$0x1FF30]  }
0xac: {  	v43 =	vsub.f32 v43, v47;
	v41 =	vsub.f32 v41, v45;
	v27 =	vcvt.s32.f32 v5;
	v5 =	vld [tilespmem:s13+$0x4000]  }
0xad: {  	v44 =	vsub.f32 v44, v46;
	v35 =	vcvt.s32.f32 v22;
	v63 =	vcvt.s32.f32 v6;
	v6 =	vld [tilespmem:$0x1FF20]  }
0xae: {  	v22 =	vcvt.s32.f32 v16;
	[tilespmem:$0x1FCA0] =	vst v0;
	v0 =	vadd.f32 $-1.065353220e+09, v39;
	v25 =	vadd.f32 v8, v25  }
0xaf: {  	v39 =	vcvt.s32.f32 v61;
	v61 =	vadd.f32 $-1.065353220e+09, v50;
	v50 =	vcvt.s32.f32 v54;
	v54 =	vld [tilespmem:$0x1FEC0]  }
0xb0: {  	v29 =	vcvt.s32.f32 v36;
	v58 =	vld [tilespmem:$0x1FED0];
	v37 =	vcvt.s32.f32 v14;
	v25 =	vadd.f32 v7, v25  }
0xb1: {  	v14 =	vadd.f32 $-1.065353220e+09, v47;
	v47 =	vadd.f32 $-1.065353220e+09, v42;
	v36 =	vcvt.s32.f32 v5;
	v5 =	vld [tilespmem:$0x1FF10]  }
0xb2: {  	v34 =	vmul.f32 v34, v57;
	v42 =	vsub.f32 v19, v42;
	v19 =	vadd.f32 v6, v25;
	v25 =	vld [tilespmem:$0x1FEF0]  }
0xb3: {  	v44 =	vmul.f32 v44, v4;
	[tilespmem:$0x1FC90] =	vst v35;
	v35 =	vadd.f32 $-1.065353220e+09, v45;
	v38 =	vmul.f32 v38, v6  }
0xb4: {  	v45 =	vadd.f32 $-1.065353220e+09, v46;
	v26 =	vmul.f32 v53, v54;
	v53 =	vmul.f32 v28, v8  }
0xb5: {  	v16 =	vld [tilespmem:$0x1FF00];
	v43 =	vmul.f32 v43, v12;
	v38 =	vadd.f32 v38, v60;
	v30 =	vmul.f32 v30, v7  }
0xb6: {  	v52 =	vmul.f32 v52, v58;
	v0 =	vadd.f32 v53, v0;
	v53 =	vadd.f32 v44, v45  }
0xb7: {  	v30 =	vadd.f32 v30, v62;
	v46 =	vadd.f32 v5, v19;
	v33 =	vmul.f32 v33, v25  }
0xb8: {  	v20 =	vmul.f32 v20, v5;
	v19 =	vadd.f32 v26, v55;
	v26 =	vadd.f32 v34, v51  }
0xb9: {  	v51 =	vadd.f32 v52, v56;
	v52 =	vmul.f32 v40, v9;
	v28 =	vadd.f32 v33, v15;
	v15 =	vld [tilespmem:$0x1FC80]  }
0xba: {  	v60 =	vld [tilespmem:$0x1FFD0];
	v56 =	vmul.f32 v49, v10;
	v55 =	vadd.f32 v16, v46;
	v46 =	vadd.f32 v20, v59  }
0xbb: {  	v20 =	vmul.f32 v48, v11;
	v2 =	vadd.f32 v52, v2;
	v52 =	vmul.f32 v41, v13;
	v59 =	vld [tilespmem:$0x1FFC0]  }
0xbc: {  	v32 =	vmul.f32 v32, v16;
	v44 =	vld [tilespmem:$0x1FFF0];
	v3 =	vadd.f32 v56, v3;
	v40 =	vadd.f32 v25, v55  }
0xbd: {  	v41 =	vadd.f32 v20, v61;
	v20 =	vmul.f32 v42, v1;
	v35 =	vadd.f32 v52, v35  }
0xbe: {  	v32 =	vadd.f32 v32, v15;
	v15 =	vmul.f32 v36, v4;
	v4 =	vadd.f32 v43, v14;
	v43 =	vld [tilespmem:$0x1FFE0]  }
0xbf: {  	v55 =	vmul.f32 v36, v53;
	v61 =	vadd.f32 v36, v60;
	v49 =	vadd.f32 v57, v40  }
0xc0: {  	v62 =	vmul.f32 v50, v1;
	v42 =	vadd.f32 v20, v47;
	v15 =	vadd.f32 v15, v59  }
0xc1: {  	v12 =	vmul.f32 v63, v12;
	v45 =	vadd.f32 v55, v44;
	v34 =	vadd.f32 v58, v49  }
0xc2: {  	v13 =	vmul.f32 v31, v13;
	v14 =	vadd.f32 v62, v15;
	v15 =	vadd.f32 v50, v61  }
0xc3: {  	v47 =	vmul.f32 v50, v42;
	v56 =	vadd.f32 v54, v34;
	v33 =	vadd.f32 v53, v43  }
0xc4: {  	v8 =	vmul.f32 v27, v8;
	v13 =	vadd.f32 v13, v14;
	v50 =	vadd.f32 v31, v15  }
0xc5: {  	v49 =	vmul.f32 v31, v35;
	v48 =	vadd.f32 v47, v45;
	v33 =	vadd.f32 v42, v33  }
0xc6: {  	s15 =	sadd.s32 $0x80, s15;
	v11 =	vmul.f32 v37, v11;
	v12 =	vadd.f32 v12, v13;
	v53 =	vadd.f32 v63, v50  }
0xc7: {  	s31 =	sand.u32 $0x1800, s14;
	s16 =	sand.u32 $0x380, s15;
	v52 =	vmul.f32 v63, v4;
	v31 =	vadd.f32 v49, v48;
	v15 =	vadd.f32 v35, v33  }
0xc8: {  	s13 =	sor.u32 s16, s31;
	v10 =	vmul.f32 v39, v10;
	[tilespmem:$0x1FCB0] =	vst v56;
	v11 =	vadd.f32 v11, v12;
	v56 =	vadd.f32 v37, v53  }
0xc9: {  	v55 =	vadd.f32 v52, v31;
	v12 =	vld [tilespmem:s13+$0x440];
	v4 =	vadd.f32 v4, v15;
	v15 =	vmul.f32 v37, v41  }
0xca: {  	v9 =	vmul.f32 v29, v9;
	v10 =	vadd.f32 v10, v11;
	v61 =	vadd.f32 v39, v56  }
0xcb: {  	v60 =	vmul.f32 v39, v3;
	v4 =	vadd.f32 v41, v4;
	v59 =	vadd.f32 v15, v55  }
0xcc: {  	v7 =	vmul.f32 v24, v7;
	v9 =	vadd.f32 v9, v10;
	v14 =	vadd.f32 v29, v61  }
0xcd: {  	v45 =	vmul.f32 v21, v16;
	v61 =	vld [tilespmem:s13+$0x450];
	v3 =	vadd.f32 v3, v4;
	v62 =	vadd.f32 v60, v59  }
0xce: {  	v63 =	vmul.f32 v29, v2;
	v16 =	vadd.f32 $9.999999740e-06, v12;
	v8 =	vadd.f32 v8, v9  }
0xcf: {  	v13 =	vld [tilespmem:s13+$0x430];
	v35 =	vadd.f32 v27, v14;
	v2 =	vadd.f32 v2, v3  }
0xd0: {  	v34 =	vmul.f32 v27, v0;
	v33 =	vadd.f32 v63, v62;
	v39 =	vadd.f32 v7, v8  }
0xd1: {  	v6 =	vmul.f32 v18, v6;
	v40 =	vadd.f32 v24, v35;
	v0 =	vadd.f32 v0, v2  }
0xd2: {  	v5 =	vmul.f32 v17, v5;
	v36 =	vadd.f32 v34, v33;
	v3 =	vadd.f32 $9.999999740e-06, v61  }
0xd3: {  	v37 =	vmul.f32 v24, v30;
	v35 =	vld [tilespmem:s13+$0x400];
	v4 =	vadd.f32 v6, v39;
	v42 =	vadd.f32 v18, v40  }
0xd4: {  	v53 =	vld [tilespmem:$0x1FC90];
	v41 =	vmul.f32 v18, v38;
	v18 =	vadd.f32 $9.999999740e-06, v13;
	v0 =	vadd.f32 v30, v0  }
0xd5: {  	v34 =	vld [tilespmem:s13+$0x410];
	v2 =	vadd.f32 v37, v36;
	v4 =	vadd.f32 v5, v4  }
0xd6: {  	v43 =	vmul.f32 v17, v46;
	v44 =	vadd.f32 v17, v42;
	v17 =	vsub.f32 $1.000010010e+00, v61  }
0xd7: {  	v23 =	vcvt.s32.f32 v23;
	v0 =	vadd.f32 v38, v0;
	v2 =	vadd.f32 v41, v2  }
0xd8: {  	v47 =	vmul.f32 v22, v25;
	v56 =	vld [tilespmem:s13+$0x470];
	v38 =	vsub.f32 $1.000010010e+00, v13;
	v41 =	vadd.f32 $9.999999740e-06, v35  }
0xd9: {  	v55 =	vmul.f32 v53, v58;
	v58 =	vld [tilespmem:s13+$0x460];
	v4 =	vadd.f32 v45, v4;
	v5 =	vadd.f32 v21, v44  }
0xda: {  	v48 =	vmul.f32 v22, v28;
	v39 =	vadd.f32 $9.999999740e-06, v34;
	v42 =	vsub.f32 $1.000010010e+00, v34  }
0xdb: {  	v50 =	vmul.f32 v23, v57;
	[tilespmem:$0x1FF00] =	vst v13;
	v45 =	vld [tilespmem:s13+$0x70];
	v0 =	vadd.f32 v46, v0;
	v2 =	vadd.f32 v43, v2  }
0xdc: {  	[tilespmem:$0x1FEF0] =	vst v12;
	v46 =	vmul.f32 v21, v32;
	v43 =	vsub.f32 $1.000010010e+00, v35;
	v4 =	vadd.f32 v47, v4  }
0xdd: {  	v52 =	vmul.f32 v23, v26;
	v59 =	vld [tilespmem:$0x1FCA0];
	[tilespmem:$0x1FEE0] =	vst v61;
	v49 =	vadd.f32 v22, v5;
	v0 =	vadd.f32 v32, v0  }
0xde: {  	[tilespmem:$0x1FED0] =	vst v58;
	v33 =	vmov v56;
	v47 =	vld [tilespmem:s13+$0x50];
	v2 =	vadd.f32 v46, v2;
	v4 =	vadd.f32 v50, v4  }
0xdf: {  	v57 =	vmul.f32 v53, v51;
	[tilespmem:$0x1FEC0] =	vst v33;
	v1 =	vadd.f32 v23, v49;
	v0 =	vadd.f32 v28, v0  }
0xe0: {  	v61 =	vcvt.s32.f32 v18;
	[tilespmem:$0x1FF30] =	vst v35;
	v32 =	vld [tilespmem:s13+$0x420];
	v2 =	vadd.f32 v48, v2;
	v27 =	vsub.f32 $1.000010010e+00, v45  }
0xe1: {  	[tilespmem:$0x1FF20] =	vst v34;
	v34 =	vcvt.s32.f32 v41;
	v46 =	vld [tilespmem:s13+$0x60];
	v4 =	vadd.f32 v55, v4;
	v1 =	vadd.f32 v53, v1  }
0xe2: {  	v60 =	vmul.f32 v59, v54;
	[tilespmem:$0x1FD90] =	vst v61;
	v0 =	vadd.f32 v26, v0;
	v2 =	vadd.f32 v52, v2  }
0xe3: {  	v63 =	vmul.f32 v59, v19;
	[tilespmem:$0x1FE20] =	vst v34;
	v26 =	vadd.f32 $9.999999740e-06, v45;
	v20 =	vadd.f32 $9.999999740e-06, v47  }
0xe4: {  	v44 =	vand.u32 $0x7FFFFF, v16;
	v49 =	vld [tilespmem:s13+$0x30];
	[tilespmem:$0x1FF40] =	vst v45;
	v23 =	vsub.f32 $1.000010010e+00, v47;
	v4 =	vadd.f32 v60, v4  }
0xe5: {  	v35 =	vcvt.s32.f32 v43;
	v50 =	vld [tilespmem:s13+$0x20];
	[tilespmem:$0x1FF60] =	vst v47;
	v1 =	vadd.f32 v59, v1;
	v37 =	vadd.f32 $9.999999740e-06, v32  }
0xe6: {  	v45 =	vand.u32 $0x7FFFFF, v17;
	v40 =	vsub.f32 $1.000010010e+00, v32;
	v24 =	vadd.f32 $9.999999740e-06, v46  }
0xe7: {  	v48 =	vld [tilespmem:s13+$0x40];
	[tilespmem:$0x1FF10] =	vst v32;
	v25 =	vsub.f32 $1.000010010e+00, v46;
	v59 =	vcvt.s32.f32 v16;
	v32 =	vcvt.s32.f32 v39  }
0xe8: {  	[tilespmem:$0x1FF50] =	vst v46;
	v39 =	vand.u32 $0x7FFFFF, v39;
	v0 =	vadd.f32 v51, v0;
	v62 =	vadd.f32 v57, v2  }
0xe9: {  	v46 =	vor.u32 $0x3F800000, v44;
	v2 =	vsub.f32 $1.000010010e+00, v33;
	[tilespmem:$0x1FD50] =	vst v20;
	v21 =	vsub.f32 $1.000010010e+00, v49  }
0xea: {  	[tilespmem:$0x1FD80] =	vst v23;
	v8 =	vadd.f32 $9.999999740e-06, v50;
	v13 =	vsub.f32 $1.000010010e+00, v50;
	v57 =	vcvt.s32.f32 v3  }
0xeb: {  	v3 =	vand.u32 $0x7FFFFF, v3;
	v36 =	vand.u32 $0x7FFFFF, v26;
	[tilespmem:$0x1FFD0] =	vst v1;
	v1 =	vadd.f32 $9.999999740e-06, v58  }
0xec: {  	v33 =	vcvt.s32.f32 v42;
	[tilespmem:$0x1FFC0] =	vst v4;
	v4 =	vsub.f32 $1.000010010e+00, v58;
	v15 =	vadd.f32 $9.999999740e-06, v48  }
0xed: {  	[tilespmem:$0x1FF70] =	vst v48;
	v22 =	vsub.f32 $1.000010010e+00, v48;
	v58 =	vcvt.s32.f32 v17;
	v11 =	vcvt.s32.f32 v40  }
0xee: {  	v52 =	vld [tilespmem:s13+$0x0];
	[tilespmem:$0x1FD60] =	vst v59;
	v59 =	vand.u32 $0x7FFFFF, v23;
	v48 =	vor.u32 $0x3F800000, v3;
	v0 =	vadd.f32 v19, v0  }
0xef: {  	v14 =	vadd.f32 v63, v62;
	v19 =	vsub.f32 $1.000010010e+00, v12;
	v54 =	vcvt.s32.f32 v2;
	[tilespmem:$0x1FD30] =	vst v57  }
0xf0: {  	v62 =	vcvt.s32.f32 v38;
	v63 =	vcvt.s32.f32 v37;
	[tilespmem:$0x1FE30] =	vst v33;
	v2 =	vand.u32 $0x7FFFFF, v2  }
0xf1: {  	v38 =	vand.u32 $0x7FFFFF, v38;
	v37 =	vand.u32 $0x7FFFFF, v37;
	v57 =	vand.u32 $0x7FFFFF, v27;
	[tilespmem:$0x1FDB0] =	vst v15  }
0xf2: {  	v6 =	vand.u32 $0x7FFFFF, v13;
	v7 =	vand.u32 $0x7FFFFF, v21;
	v17 =	vmul.f32 $1.291111000e+06, v48;
	[tilespmem:$0x1FD70] =	vst v58  }
0xf3: {  	v55 =	vcvt.s32.f32 v1;
	v9 =	vadd.f32 $9.999999740e-06, v52;
	[tilespmem:$0x1FE00] =	vst v11;
	v11 =	vsub.f32 $1.000010010e+00, v52  }
0xf4: {  	[tilespmem:$0x1FFB0] =	vst v52;
	v1 =	vand.u32 $0x7FFFFF, v1;
	v58 =	vand.u32 $0x7FFFFF, v20;
	v61 =	vand.u32 $0x7FFFFF, v15  }
0xf5: {  	v15 =	vand.u32 $0x7FFFFF, v8;
	v33 =	vor.u32 $0x3F800000, v2;
	v52 =	vor.u32 $0x3F800000, v45;
	[tilespmem:$0x1FFE0] =	vst v0  }
0xf6: {  	v45 =	vor.u32 $0x3F800000, v57;
	[tilespmem:$0x1FFF0] =	vst v14;
	v0 =	vadd.f32 $9.999999740e-06, v56;
	v14 =	vadd.f32 $9.999999740e-06, v49  }
0xf7: {  	[tilespmem:$0x1FF80] =	vst v49;
	v56 =	vcvt.s32.f32 v4;
	v60 =	vcvt.s32.f32 v19;
	v4 =	vand.u32 $0x7FFFFF, v4  }
0xf8: {  	v51 =	vld [tilespmem:s13+$0x10];
	[tilespmem:$0x1FD10] =	vst v54;
	v49 =	vand.u32 $0x7FFFFF, v18;
	v47 =	vand.u32 $0x7FFFFF, v19;
	v54 =	vand.u32 $0x7FFFFF, v41  }
0xf9: {  	[tilespmem:$0x1FDD0] =	vst v62;
	v41 =	vand.u32 $0x7FFFFF, v42;
	v62 =	vand.u32 $0x7FFFFF, v22;
	v30 =	vor.u32 $0x3F800000, v1  }
0xfa: {  	[tilespmem:$0x1FDC0] =	vst v63;
	v42 =	vor.u32 $0x3F800000, v37;
	v34 =	vor.u32 $0x3F800000, v58;
	v63 =	vor.u32 $0x3F800000, v59  }
0xfb: {  	[tilespmem:$0x1FE70] =	vst v13;
	v61 =	vor.u32 $0x3F800000, v61;
	v3 =	vmul.f32 $1.291111000e+06, v33;
	v13 =	vmul.f32 $1.291111000e+06, v52  }
0xfc: {  	[tilespmem:$0x1FE60] =	vst v8;
	v57 =	vor.u32 $0x3F800000, v15;
	v58 =	vor.u32 $0x3F800000, v6;
	v17 =	vadd.f32 $-8.635956000e+06, v17  }
0xfd: {  	v1 =	vmul.f32 $1.291111000e+06, v45;
	v10 =	vadd.f32 $9.999999740e-06, v51;
	v12 =	vsub.f32 $1.000010010e+00, v51  }
0xfe: {  	[tilespmem:$0x1FD00] =	vst v55;
	v55 =	vand.u32 $0x7FFFFF, v43;
	v8 =	vand.u32 $0x7FFFFF, v9;
	v5 =	vand.u32 $0x7FFFFF, v11  }
0xff: {  	[tilespmem:$0x1FF90] =	vst v50;
	v31 =	vor.u32 $0x3F800000, v4;
	v47 =	vor.u32 $0x3F800000, v47;
	v50 =	vor.u32 $0x3F800000, v49  }
0x100: {  	[tilespmem:$0x1FFA0] =	vst v51;
	v51 =	vor.u32 $0x3F800000, v38;
	v41 =	vor.u32 $0x3F800000, v41;
	v43 =	vor.u32 $0x3F800000, v54  }
0x101: {  	[tilespmem:$0x1FEB0] =	vst v11;
	v11 =	vmul.f32 $1.291111000e+06, v30;
	v62 =	vor.u32 $0x3F800000, v62;
	v18 =	vmul.f32 $1.291111000e+06, v42  }
0x102: {  	v16 =	vmul.f32 $1.291111000e+06, v34;
	v53 =	vcvt.s32.f32 v0;
	[tilespmem:$0x1FD40] =	vst v56;
	v0 =	vand.u32 $0x7FFFFF, v0  }
0x103: {  	[tilespmem:$0x1FDA0] =	vst v60;
	v56 =	vand.u32 $0x7FFFFF, v24;
	v60 =	vand.u32 $0x7FFFFF, v25;
	v23 =	vmul.f32 $1.291111000e+06, v50  }
0x104: {  	[tilespmem:$0x1FE10] =	vst v14;
	v20 =	vand.u32 $0x7FFFFF, v14;
	v14 =	vmul.f32 $1.291111000e+06, v47;
	v15 =	vmul.f32 $1.291111000e+06, v51  }
0x105: {  	[tilespmem:$0x1FD20] =	vst v25;
	v44 =	vor.u32 $0x3F800000, v55;
	v25 =	vmul.f32 $1.291111000e+06, v43;
	v54 =	vmul.f32 $1.291111000e+06, v41  }
0x106: {  	[tilespmem:$0x1FE50] =	vst v35;
	v35 =	vor.u32 $0x3F800000, v8;
	v19 =	vadd.f32 $-8.635956000e+06, v3;
	v3 =	vmul.f32 $1.291111000e+06, v61  }
0x107: {  	[tilespmem:$0x1FEA0] =	vst v9;
	v13 =	vadd.f32 $-8.635956000e+06, v13;
	v8 =	vmul.f32 $1.291111000e+06, v58;
	v28 =	vadd.f32 $-8.635956000e+06, v1  }
0x108: {  	v17 =	vmul.f32 v48, v17;
	[tilespmem:$0x1FE80] =	vst v10;
	v9 =	vand.u32 $0x7FFFFF, v10;
	v10 =	vand.u32 $0x7FFFFF, v12  }
0x109: {  	[tilespmem:$0x1FDF0] =	vst v32;
	v32 =	vor.u32 $0x3F800000, v0;
	v38 =	vor.u32 $0x3F800000, v56;
	v37 =	vor.u32 $0x3F800000, v60  }
0x10a: {  	[tilespmem:$0x1FE90] =	vst v12;
	v12 =	vmul.f32 $1.291111000e+06, v31;
	v59 =	vor.u32 $0x3F800000, v20;
	v20 =	vmul.f32 $1.291111000e+06, v46  }
0x10b: {  	v60 =	vor.u32 $0x3F800000, v7;
	v0 =	vmul.f32 $1.291111000e+06, v44;
	v11 =	vadd.f32 $-8.635956000e+06, v11  }
0x10c: {  	v7 =	vmul.f32 $1.291111000e+06, v57;
	v18 =	vadd.f32 $-8.635956000e+06, v18;
	v1 =	vmul.f32 $1.291111000e+06, v35  }
0x10d: {  	v16 =	vadd.f32 $-8.635956000e+06, v16;
	[tilespmem:$0x1FCE0] =	vst v53;
	v53 =	vand.u32 $0x7FFFFF, v40;
	v40 =	vor.u32 $0x3F800000, v39  }
0x10e: {  	v39 =	vor.u32 $0x3F800000, v36;
	v4 =	vmul.f32 $1.291111000e+06, v32;
	v55 =	vor.u32 $0x3F800000, v9  }
0x10f: {  	[tilespmem:$0x1FCF0] =	vst v24;
	v56 =	vor.u32 $0x3F800000, v10;
	v24 =	vmul.f32 $1.291111000e+06, v38;
	v36 =	vor.u32 $0x3F800000, v5  }
0x110: {  	v2 =	vmul.f32 $1.291111000e+06, v37;
	v10 =	vmul.f32 $1.291111000e+06, v63;
	v14 =	vadd.f32 $-8.635956000e+06, v14  }
0x111: {  	v5 =	vmul.f32 $1.291111000e+06, v59;
	v23 =	vadd.f32 $-8.635956000e+06, v23;
	v15 =	vadd.f32 $-8.635956000e+06, v15  }
0x112: {  	v6 =	vmul.f32 $1.291111000e+06, v60;
	v54 =	vadd.f32 $-8.635956000e+06, v54;
	v25 =	vadd.f32 $-8.635956000e+06, v25  }
0x113: {  	v3 =	vadd.f32 $-8.635956000e+06, v3;
	v19 =	vmul.f32 v33, v19;
	v13 =	vmul.f32 v52, v13  }
0x114: {  	[tilespmem:$0x1FCC0] =	vst v26;
	v8 =	vadd.f32 $-8.635956000e+06, v8;
	v28 =	vmul.f32 v45, v28;
	v17 =	vadd.f32 $1.686712600e+07, v17  }
0x115: {  	[tilespmem:$0x1FDE0] =	vst v22;
	v49 =	vor.u32 $0x3F800000, v53;
	v22 =	vmul.f32 $1.291111000e+06, v40;
	v26 =	vmul.f32 $1.291111000e+06, v39  }
0x116: {  	v12 =	vadd.f32 $-8.635956000e+06, v12;
	v20 =	vadd.f32 $-8.635956000e+06, v20;
	v9 =	vmul.f32 $1.291111000e+06, v55  }
0x117: {  	[tilespmem:$0x1FCD0] =	vst v27;
	v27 =	vadd.f32 $-8.635956000e+06, v0;
	v0 =	vmul.f32 $1.291111000e+06, v56;
	v11 =	vmul.f32 v30, v11  }
0x118: {  	v7 =	vadd.f32 $-8.635956000e+06, v7;
	v18 =	vmul.f32 v42, v18;
	v1 =	vadd.f32 $-8.635956000e+06, v1  }
0x119: {  	[tilespmem:$0x1FE40] =	vst v21;
	v16 =	vmul.f32 v34, v16;
	v53 =	vmul.f32 $1.291111000e+06, v49;
	v21 =	vadd.f32 $-8.635956000e+06, v4  }
0x11a: {  	v4 =	vmul.f32 $1.291111000e+06, v62;
	v24 =	vadd.f32 $-8.635956000e+06, v24;
	v29 =	vadd.f32 $-8.635956000e+06, v2  }
0x11b: {  	v2 =	vmul.f32 $1.291111000e+06, v36;
	v10 =	vadd.f32 $-8.635956000e+06, v10;
	v14 =	vmul.f32 v47, v14  }
0x11c: {  	v5 =	vadd.f32 $-8.635956000e+06, v5;
	v23 =	vmul.f32 v50, v23;
	v15 =	vmul.f32 v51, v15  }
0x11d: {  	v6 =	vadd.f32 $-8.635956000e+06, v6;
	v54 =	vmul.f32 v41, v54;
	v25 =	vmul.f32 v43, v25  }
0x11e: {  	v19 =	vadd.f32 $1.686712600e+07, v19;
	v3 =	vmul.f32 v61, v3;
	v13 =	vadd.f32 $1.686712600e+07, v13  }
0x11f: {  	v8 =	vmul.f32 v58, v8;
	v28 =	vadd.f32 $1.686712600e+07, v28;
	v17 =	vmul.f32 v48, v17  }
0x120: {  	v22 =	vadd.f32 $-8.635956000e+06, v22;
	v26 =	vadd.f32 $-8.635956000e+06, v26;
	v12 =	vmul.f32 v31, v12  }
0x121: {  	v20 =	vmul.f32 v46, v20;
	v9 =	vadd.f32 $-8.635956000e+06, v9;
	v0 =	vadd.f32 $-8.635956000e+06, v0  }
0x122: {  	v27 =	vmul.f32 v44, v27;
	v11 =	vadd.f32 $1.686712600e+07, v11;
	v18 =	vadd.f32 $1.686712600e+07, v18  }
0x123: {  	v7 =	vmul.f32 v57, v7;
	v1 =	vmul.f32 v35, v1;
	v16 =	vadd.f32 $1.686712600e+07, v16  }
0x124: {  	v53 =	vadd.f32 $-8.635956000e+06, v53;
	v21 =	vmul.f32 v32, v21;
	v4 =	vadd.f32 $-8.635956000e+06, v4  }
0x125: {  	v2 =	vadd.f32 $-8.635956000e+06, v2;
	v24 =	vmul.f32 v38, v24;
	v29 =	vmul.f32 v37, v29  }
0x126: {  	v10 =	vmul.f32 v63, v10;
	v14 =	vadd.f32 $1.686712600e+07, v14;
	v23 =	vadd.f32 $1.686712600e+07, v23  }
0x127: {  	v5 =	vmul.f32 v59, v5;
	v15 =	vadd.f32 $1.686712600e+07, v15;
	v54 =	vadd.f32 $1.686712600e+07, v54  }
0x128: {  	v6 =	vmul.f32 v60, v6;
	v25 =	vadd.f32 $1.686712600e+07, v25;
	v3 =	vadd.f32 $1.686712600e+07, v3  }
0x129: {  	v19 =	vmul.f32 v33, v19;
	v13 =	vmul.f32 v52, v13;
	v8 =	vadd.f32 $1.686712600e+07, v8  }
0x12a: {  	v28 =	vmul.f32 v45, v28;
	v17 =	vadd.f32 $-9.511084000e+06, v17;
	v22 =	vmul.f32 v40, v22  }
0x12b: {  	v26 =	vmul.f32 v39, v26;
	v12 =	vadd.f32 $1.686712600e+07, v12;
	v20 =	vadd.f32 $1.686712600e+07, v20  }
0x12c: {  	v27 =	vadd.f32 $1.686712600e+07, v27;
	v9 =	vmul.f32 v55, v9;
	v0 =	vmul.f32 v56, v0  }
0x12d: {  	v11 =	vmul.f32 v30, v11;
	v7 =	vadd.f32 $1.686712600e+07, v7;
	v18 =	vmul.f32 v42, v18  }
0x12e: {  	v1 =	vadd.f32 $1.686712600e+07, v1;
	v16 =	vmul.f32 v34, v16;
	v53 =	vmul.f32 v49, v53  }
0x12f: {  	v21 =	vadd.f32 $1.686712600e+07, v21;
	v4 =	vmul.f32 v62, v4;
	v24 =	vadd.f32 $1.686712600e+07, v24  }
0x130: {  	v29 =	vadd.f32 $1.686712600e+07, v29;
	v10 =	vadd.f32 $1.686712600e+07, v10;
	v2 =	vmul.f32 v36, v2  }
0x131: {  	v5 =	vadd.f32 $1.686712600e+07, v5;
	v14 =	vmul.f32 v47, v14;
	v23 =	vmul.f32 v50, v23  }
0x132: {  	v48 =	vld [tilespmem:$0x1FD30];
	v6 =	vadd.f32 $1.686712600e+07, v6;
	v15 =	vmul.f32 v51, v15;
	v25 =	vmul.f32 v43, v25  }
0x133: {  	v45 =	vld [tilespmem:$0x1FD00];
	v19 =	vadd.f32 $-9.511084000e+06, v19;
	v13 =	vadd.f32 $-9.511084000e+06, v13;
	v3 =	vmul.f32 v61, v3  }
0x134: {  	v8 =	vmul.f32 v58, v8;
	v47 =	vld [tilespmem:$0x1FD20];
	v22 =	vadd.f32 $1.686712600e+07, v22;
	v26 =	vadd.f32 $1.686712600e+07, v26  }
0x135: {  	v50 =	vld [tilespmem:$0x1FD50];
	v12 =	vmul.f32 v31, v12;
	v20 =	vmul.f32 v46, v20;
	v9 =	vadd.f32 $1.686712600e+07, v9  }
0x136: {  	v0 =	vadd.f32 $1.686712600e+07, v0;
	v31 =	vmul.f32 v41, v54;
	v1 =	vmul.f32 v35, v1;
	v35 =	vld [tilespmem:$0x1FCC0]  }
0x137: {  	v27 =	vmul.f32 v44, v27;
	v11 =	vadd.f32 $-9.511084000e+06, v11;
	v18 =	vadd.f32 $-9.511084000e+06, v18;
	v44 =	vld [tilespmem:$0x1FCF0]  }
0x138: {  	v7 =	vmul.f32 v57, v7;
	v16 =	vadd.f32 $-9.511084000e+06, v16;
	v46 =	vld [tilespmem:$0x1FD10];
	v34 =	vadd.f32 v48, v17  }
0x139: {  	v54 =	vld [tilespmem:$0x1FD70];
	v53 =	vadd.f32 $1.686712600e+07, v53;
	v4 =	vadd.f32 $1.686712600e+07, v4;
	v21 =	vmul.f32 v32, v21  }
0x13a: {  	v57 =	vld [tilespmem:$0x1FD90];
	v2 =	vadd.f32 $1.686712600e+07, v2;
	v24 =	vmul.f32 v38, v24;
	v29 =	vmul.f32 v37, v29  }
0x13b: {  	v48 =	vld [tilespmem:$0x1FE30];
	v10 =	vmul.f32 v63, v10;
	v23 =	vadd.f32 $-9.511084000e+06, v23;
	v14 =	vadd.f32 $-9.511084000e+06, v14  }
0x13c: {  	v15 =	vadd.f32 $-9.511084000e+06, v15;
	v5 =	vmul.f32 v59, v5;
	v25 =	vadd.f32 $-9.511084000e+06, v25;
	v37 =	vld [tilespmem:$0x1FCE0]  }
0x13d: {  	v6 =	vmul.f32 v60, v6;
	v3 =	vadd.f32 $-9.511084000e+06, v3;
	v8 =	vadd.f32 $-9.511084000e+06, v8;
	v59 =	vld [tilespmem:$0x1FDA0]  }
0x13e: {  	v60 =	vld [tilespmem:$0x1FDB0];
	v26 =	vmul.f32 v39, v26;
	v12 =	vadd.f32 $-9.511084000e+06, v12;
	v20 =	vadd.f32 $-9.511084000e+06, v20  }
0x13f: {  	v38 =	vadd.f32 $-9.511084000e+06, v31;
	v39 =	vadd.f32 $-9.511084000e+06, v27;
	v9 =	vmul.f32 v55, v9;
	v55 =	vld [tilespmem:$0x1FD80]  }
0x140: {  	v22 =	vmul.f32 v40, v22;
	v40 =	vadd.f32 $-9.511084000e+06, v28;
	v11 =	vadd.f32 v45, v11;
	v45 =	vld [tilespmem:$0x1FE00]  }
0x141: {  	v7 =	vadd.f32 $-9.511084000e+06, v7;
	v42 =	vadd.f32 $-9.511084000e+06, v1;
	v2 =	vmul.f32 v36, v2;
	v36 =	vld [tilespmem:$0x1FCD0]  }
0x142: {  	v30 =	vmul.f32 v49, v53;
	v21 =	vadd.f32 $-9.511084000e+06, v21;
	v24 =	vadd.f32 $-9.511084000e+06, v24;
	v49 =	vld [tilespmem:$0x1FD40]  }
0x143: {  	v0 =	vmul.f32 v56, v0;
	v41 =	vadd.f32 $-9.511084000e+06, v29;
	v10 =	vadd.f32 $-9.511084000e+06, v10;
	v53 =	vld [tilespmem:$0x1FD60]  }
0x144: {  	v4 =	vmul.f32 v62, v4;
	v5 =	vadd.f32 $-9.511084000e+06, v5;
	v6 =	vadd.f32 $-9.511084000e+06, v6;
	v62 =	vld [tilespmem:$0x1FDC0]  }
0x145: {  	v22 =	vadd.f32 $-9.511084000e+06, v22;
	v26 =	vadd.f32 $-9.511084000e+06, v26;
	v17 =	vcvt.s32.f32 v50;
	v50 =	vld [tilespmem:$0x1FE50]  }
0x146: {  	v9 =	vadd.f32 $-9.511084000e+06, v9;
	v52 =	vadd.f32 v46, v19;
	v46 =	vld [tilespmem:$0x1FE10]  }
0x147: {  	v0 =	vadd.f32 $-9.511084000e+06, v0;
	v30 =	vadd.f32 $-9.511084000e+06, v30;
	v19 =	vcvt.s32.f32 v47;
	v47 =	vld [tilespmem:$0x1FE20]  }
0x148: {  	v4 =	vadd.f32 $-9.511084000e+06, v4;
	v28 =	vcvt.s32.f32 v35;
	v35 =	vadd.f32 v54, v13;
	v54 =	vld [tilespmem:$0x1FE70]  }
0x149: {  	v2 =	vadd.f32 $-9.511084000e+06, v2;
	v51 =	vadd.f32 v37, v21;
	v21 =	vcvt.s32.f32 v44;
	v44 =	vld [tilespmem:$0x1FDF0]  }
0x14a: {  	v32 =	vadd.f32 v57, v23;
	v33 =	vadd.f32 v59, v14;
	v59 =	vld [tilespmem:$0x1FEA0]  }
0x14b: {  	v38 =	vadd.f32 v48, v38;
	v61 =	vcvt.s32.f32 v60;
	v56 =	vcvt.s32.f32 v55;
	v55 =	vld [tilespmem:$0x1FE80]  }
0x14c: {  	v28 =	vadd.f32 v28, v26;
	v26 =	vadd.f32 v17, v16;
	v43 =	vcvt.s32.f32 v36;
	v36 =	vld [tilespmem:$0x1FDD0]  }
0x14d: {  	v37 =	vld [tilespmem:$0x1FDE0];
	v12 =	vadd.f32 v49, v12;
	v63 =	vadd.f32 v53, v20  }
0x14e: {  	v31 =	vadd.f32 v62, v18;
	v49 =	vld [tilespmem:$0x1FE40];
	v48 =	vadd.f32 v61, v3  }
0x14f: {  	v18 =	vcvt.s32.f32 v46;
	v27 =	vadd.f32 v47, v25;
	v25 =	vadd.f32 v21, v24  }
0x150: {  	v21 =	vcvt.s32.f32 v54;
	v29 =	vadd.f32 v44, v22;
	v60 =	vcvt.s32.f32 v59  }
0x151: {  	v53 =	vld [tilespmem:$0x1FE60];
	v16 =	vcvt.s32.f32 v55;
	v55 =	vadd.f32 $-1.065353220e+09, v52;
	v36 =	vadd.f32 v36, v15  }
0x152: {  	v61 =	vld [tilespmem:$0x1FEB0];
	v15 =	vcvt.s32.f32 v37;
	v37 =	vadd.f32 v45, v30;
	v30 =	vadd.f32 v50, v39  }
0x153: {  	v20 =	vcvt.s32.f32 v49;
	v39 =	vadd.f32 v43, v40;
	v49 =	vadd.f32 v56, v10;
	v56 =	vld [tilespmem:$0x1FE90]  }
0x154: {  	v40 =	vadd.f32 v19, v41;
	v43 =	vadd.f32 v18, v5  }
0x155: {  	p0 =	sne.s32 s14, $0x1F00;
	v58 =	vld [tilespmem:$0x1FCB0];
	v45 =	vadd.f32 v21, v8;
	v44 =	vadd.f32 v60, v42  }
.Ltmp0:
0x156: {  	v23 =	vld [tilespmem:s13+$0x4450];
	v22 =	vcvt.s32.f32 v53;
	v53 =	vsub.f32 v51, v52;
	v51 =	vadd.f32 $-1.065353220e+09, v35;
	(pc) =	sbr.rel @p0 .LBB2_2-.Ltmp0, $4  }
0x157: {  	v17 =	vld [tilespmem:s13+$0x4430];
	v62 =	vcvt.s32.f32 v61;
	v52 =	vsub.f32 v11, v12;
	v19 =	vadd.f32 v16, v9  }
0x158: {  	v21 =	vld [tilespmem:s13+$0x4470];
	v50 =	vadd.f32 v15, v4;
	v41 =	vadd.f32 v22, v7;
	v57 =	vcvt.s32.f32 v56  }
0x159: {  	v16 =	vld [tilespmem:s13+$0x4440];
	v47 =	vadd.f32 v20, v6;
	v46 =	vadd.f32 v62, v2  }
0x15a: {  	s14 =	sadd.s32 $0x100, s14;
	v22 =	vld [tilespmem:s13+$0x4460];
	v56 =	vadd.f32 $-1.065353220e+09, v12;
	v42 =	vadd.f32 v57, v0  }
0x15b: {  	v0 =	vsub.f32 v34, v35;
	v35 =	vld [tilespmem:$0x1FEC0]  }
0x15c: {  	v34 =	vld [tilespmem:$0x1FED0]  }
0x15d: {  	v14 =	vsub.f32 v31, v37;
	v31 =	vld [tilespmem:$0x1FF00]  }
0x15e: {  	v12 =	vsub.f32 v32, v36;
	v32 =	vld [tilespmem:$0x1FF10]  }
0x15f: {  	v1 =	vsub.f32 v63, v33;
	v13 =	vadd.f32 $-1.065353220e+09, v36;
	v36 =	vld [tilespmem:$0x1FF20]  }
0x160: {  	v3 =	vadd.f32 $-1.065353220e+09, v33;
	v15 =	vadd.f32 $-1.065353220e+09, v37;
	v37 =	vld [tilespmem:$0x1FF40]  }
0x161: {  	v6 =	vsub.f32 v28, v39;
	v8 =	vadd.f32 $-1.065353220e+09, v39;
	v39 =	vld [tilespmem:$0x1FF70]  }
0x162: {  	v20 =	vsub.f32 v29, v38;
	v7 =	vadd.f32 $-1.065353220e+09, v38;
	v2 =	vmul.f32 v53, v35;
	v53 =	vld [tilespmem:$0x1FEE0]  }
0x163: {  	v54 =	vsub.f32 v25, v40;
	v57 =	vadd.f32 $-1.065353220e+09, v40;
	v4 =	vmul.f32 v52, v34;
	v52 =	vld [tilespmem:$0x1FEF0]  }
0x164: {  	v59 =	vadd.f32 $-1.065353220e+09, v50;
	v9 =	vsub.f32 v26, v49;
	v38 =	vld [tilespmem:$0x1FF60]  }
0x165: {  	v60 =	vadd.f32 $-1.065353220e+09, v49;
	v61 =	vld [tilespmem:s13+$0x4000];
	v63 =	vsub.f32 v43, v47  }
0x166: {  	v10 =	vsub.f32 v44, v46;
	v11 =	vadd.f32 $-1.065353220e+09, v47;
	v49 =	vld [tilespmem:$0x1FF90]  }
0x167: {  	v18 =	vadd.f32 v4, v56;
	v56 =	vsub.f32 v48, v50;
	v48 =	vld [tilespmem:s13+$0x4010];
	v0 =	vmul.f32 v0, v53  }
0x168: {  	v6 =	vmul.f32 v6, v37;
	v50 =	vld [tilespmem:s13+$0x4020];
	v5 =	vmul.f32 v1, v52;
	v1 =	vadd.f32 v2, v55  }
0x169: {  	v62 =	vmul.f32 v9, v38;
	v24 =	vadd.f32 v0, v51;
	v51 =	vsub.f32 v27, v30;
	v27 =	vld [tilespmem:$0x1FF30]  }
0x16a: {  	v2 =	vadd.f32 v6, v8;
	v55 =	vadd.f32 $-1.065353220e+09, v30;
	v6 =	vmul.f32 v56, v39;
	v30 =	vld [tilespmem:$0x1FF50]  }
0x16b: {  	v33 =	vadd.f32 v5, v3;
	v3 =	vmul.f32 v14, v32;
	v5 =	vmul.f32 v20, v36;
	v20 =	vld [tilespmem:$0x1FFB0]  }
0x16c: {  	v0 =	vmul.f32 v12, v31;
	v6 =	vadd.f32 v6, v59;
	v12 =	vsub.f32 v41, v45;
	v59 =	vld [tilespmem:$0x1FFC0]  }
0x16d: {  	v14 =	vadd.f32 $-1.065353220e+09, v45;
	v8 =	vcvt.s32.f32 v48;
	v45 =	vld [tilespmem:s13+$0x4050];
	v29 =	vadd.f32 v3, v15  }
0x16e: {  	v28 =	vadd.f32 v0, v13;
	v0 =	vadd.f32 v5, v7;
	v7 =	vcvt.s32.f32 v61;
	v61 =	vld [tilespmem:$0x1FFD0]  }
0x16f: {  	v5 =	vadd.f32 v62, v60;
	v13 =	vadd.f32 $-1.065353220e+09, v46;
	v12 =	vmul.f32 v12, v49;
	v62 =	vld [tilespmem:$0x1FFE0]  }
0x170: {  	v15 =	vsub.f32 v19, v42;
	v3 =	vmul.f32 v51, v27;
	v4 =	vmul.f32 v54, v30;
	v54 =	vld [tilespmem:$0x1FF80]  }
0x171: {  	v12 =	vadd.f32 v12, v14;
	v10 =	vmul.f32 v10, v20;
	v56 =	vadd.f32 v20, v58;
	v58 =	vld [tilespmem:s13+$0x4030]  }
0x172: {  	v51 =	vadd.f32 $-1.065353220e+09, v42;
	v20 =	vmul.f32 v7, v20;
	v3 =	vadd.f32 v3, v55;
	v55 =	vld [tilespmem:$0x1FFA0]  }
0x173: {  	v4 =	vadd.f32 v4, v57;
	v10 =	vadd.f32 v10, v13;
	v13 =	vcvt.s32.f32 v50  }
0x174: {  	v42 =	vld [tilespmem:s13+$0x4040];
	v19 =	vadd.f32 v20, v59;
	v50 =	vcvt.s32.f32 v45;
	v45 =	vcvt.s32.f32 v17  }
0x175: {  	v60 =	vmul.f32 v7, v10;
	v7 =	vadd.f32 v7, v61;
	v44 =	vmul.f32 v13, v49  }
0x176: {  	v10 =	vadd.f32 v10, v62;
	v46 =	vmul.f32 v13, v12;
	v9 =	vmul.f32 v63, v54;
	v63 =	vld [tilespmem:$0x1FFF0]  }
0x177: {  	v43 =	vcvt.s32.f32 v58;
	v7 =	vadd.f32 v8, v7;
	v15 =	vmul.f32 v15, v55  }
0x178: {  	v9 =	vadd.f32 v9, v11;
	v14 =	vadd.f32 v55, v56;
	v25 =	vmul.f32 v8, v55  }
0x179: {  	v47 =	vcvt.s32.f32 v42;
	v7 =	vadd.f32 v13, v7;
	v57 =	vadd.f32 v15, v51  }
0x17a: {  	v26 =	vmul.f32 v43, v54;
	v14 =	vadd.f32 v49, v14;
	v19 =	vadd.f32 v25, v19  }
0x17b: {  	v55 =	vmul.f32 v47, v6;
	v49 =	vld [tilespmem:s13+$0x4060];
	v20 =	vadd.f32 v60, v63;
	v7 =	vadd.f32 v43, v7  }
0x17c: {  	v8 =	vmul.f32 v8, v57;
	v10 =	vadd.f32 v57, v10;
	v14 =	vadd.f32 v54, v14  }
0x17d: {  	v11 =	vmul.f32 v43, v9;
	v15 =	vadd.f32 v44, v19;
	v7 =	vadd.f32 v47, v7  }
0x17e: {  	v51 =	vmul.f32 v47, v39;
	v54 =	vld [tilespmem:s13+$0x4070];
	v8 =	vadd.f32 v8, v20;
	v10 =	vadd.f32 v12, v10  }
0x17f: {  	v48 =	vadd.f32 v26, v15;
	v14 =	vadd.f32 v39, v14;
	v20 =	vmul.f32 v50, v38  }
0x180: {  	v56 =	vcvt.s32.f32 v49;
	v7 =	vadd.f32 v50, v7;
	v8 =	vadd.f32 v46, v8  }
0x181: {  	v58 =	vld [tilespmem:s13+$0x4400];
	v49 =	vmul.f32 v45, v31;
	v9 =	vadd.f32 v9, v10;
	v14 =	vadd.f32 v38, v14  }
0x182: {  	v13 =	vadd.f32 v51, v48;
	v10 =	vmul.f32 v50, v5;
	v50 =	vcvt.s32.f32 v16  }
0x183: {  	v61 =	vld [tilespmem:s13+$0x4410];
	v59 =	vcvt.s32.f32 v54;
	v7 =	vadd.f32 v56, v7;
	v8 =	vadd.f32 v11, v8  }
0x184: {  	v26 =	vld [tilespmem:s13+$0x4420];
	v60 =	vmul.f32 v56, v30;
	v6 =	vadd.f32 v6, v9;
	v57 =	vadd.f32 v20, v13  }
0x185: {  	v62 =	vmul.f32 v56, v4;
	v14 =	vadd.f32 v30, v14;
	v7 =	vadd.f32 v59, v7  }
0x186: {  	v20 =	vcvt.s32.f32 v58;
	v8 =	vadd.f32 v55, v8;
	v5 =	vadd.f32 v5, v6  }
0x187: {  	v63 =	vmul.f32 v59, v37;
	v14 =	vadd.f32 v37, v14;
	v11 =	vadd.f32 v60, v57  }
0x188: {  	v37 =	vcvt.s32.f32 v61;
	v7 =	vadd.f32 v20, v7;
	v8 =	vadd.f32 v10, v8  }
0x189: {  	v44 =	vcvt.s32.f32 v26;
	v4 =	vadd.f32 v4, v5;
	v25 =	vadd.f32 v63, v11  }
0x18a: {  	v38 =	vmul.f32 v20, v27;
	v30 =	vadd.f32 v27, v14;
	v7 =	vadd.f32 v37, v7  }
0x18b: {  	v6 =	vmul.f32 v59, v2;
	v19 =	vadd.f32 v62, v8;
	v2 =	vadd.f32 v2, v4  }
0x18c: {  	v41 =	vmul.f32 v37, v36;
	v39 =	vadd.f32 v36, v30;
	v9 =	vadd.f32 v38, v25  }
0x18d: {  	v51 =	vcvt.s32.f32 v23;
	v7 =	vadd.f32 v44, v7;
	v5 =	vadd.f32 v6, v19  }
0x18e: {  	v40 =	vmul.f32 v20, v3;
	v2 =	vadd.f32 v3, v2;
	v43 =	vadd.f32 v41, v9  }
0x18f: {  	v46 =	vmul.f32 v44, v32;
	v6 =	vadd.f32 v32, v39;
	v7 =	vadd.f32 v45, v7  }
0x190: {  	v4 =	vmul.f32 v37, v0;
	v42 =	vadd.f32 v40, v5;
	v0 =	vadd.f32 v0, v2  }
0x191: {  	v56 =	vmul.f32 v50, v33;
	v47 =	vadd.f32 v31, v6;
	v5 =	vadd.f32 v46, v43  }
0x192: {  	v58 =	vcvt.s32.f32 v22;
	v6 =	vadd.f32 v50, v7;
	v3 =	vadd.f32 v4, v42  }
0x193: {  	v48 =	vmul.f32 v44, v29;
	v0 =	vadd.f32 v29, v0;
	v5 =	vadd.f32 v49, v5  }
0x194: {  	v4 =	vadd.f32 v52, v47;
	v52 =	vmul.f32 v50, v52;
	v6 =	vadd.f32 v51, v6  }
0x195: {  	v2 =	vmul.f32 v45, v28;
	v3 =	vadd.f32 v48, v3;
	v0 =	vadd.f32 v28, v0  }
0x196: {  	v57 =	vmul.f32 v51, v53;
	v54 =	vadd.f32 v53, v4;
	v55 =	vadd.f32 v52, v5  }
0x197: {  	v59 =	vcvt.s32.f32 v21;
	v6 =	vadd.f32 v58, v6;
	v2 =	vadd.f32 v2, v3  }
0x198: {  	v60 =	vmul.f32 v58, v34;
	v0 =	vadd.f32 v33, v0;
	v4 =	vadd.f32 v57, v55  }
0x199: {  	v8 =	vmul.f32 v51, v24;
	v3 =	vadd.f32 v34, v54;
	v2 =	vadd.f32 v56, v2  }
0x19a: {  	v61 =	vmul.f32 v59, v35;
	v62 =	vadd.f32 v59, v6;
	v0 =	vadd.f32 v24, v0  }
0x19b: {  	v7 =	vmul.f32 v58, v18;
	v4 =	vadd.f32 v60, v4;
	v2 =	vadd.f32 v8, v2  }
0x19c: {  	v3 =	vadd.f32 v35, v3;
	v0 =	vadd.f32 v18, v0  }
0x19d: {  	v5 =	vmul.f32 v59, v1;
	[tilespmem:$0x8100] =	vst v62;
	v4 =	vadd.f32 v61, v4;
	v2 =	vadd.f32 v7, v2  }
0x19e: {  	[tilespmem:$0x8000] =	vst v3;
	v0 =	vadd.f32 v1, v0  }
0x19f: {  	s12 =	sadd.s32 $0x1, s12;
	[tilespmem:$0x8080] =	vst v4;
	v63 =	vadd.f32 v5, v2  }
0x1a0: {  	p0 =	sne.s32 s12, s6;
	[tilespmem:$0x8180] =	vst v0  }
.Ltmp1:
0x1a1: {  	[tilespmem:$0x8200] =	vst v63;
	(pc) =	sbr.rel @p0 .LBB2_1-.Ltmp1, $4  }
0x1a2: {  	[hbm4b:s5+s2] =	stream.linear.scatter [tilespmem:s10], [sflag:$0x3], $0x280, $0x38;
	[tilespmem:$0x8400] =	vst v63  }
0x1a3: {  	_ =	swait.ge [sflag:s11], $0x280  }
0x1a4: {  	[sflag:s11] =	ssyncset.done $0x0  }
0x1a5: {  	[sflag:s11] =	ssyncadd.s32 $0xFFFFFD80  }
0x1a6: {  	_ =	sfence.sel $0x180000  }
0x1a7: {  	[bflag:$0x0] =	sbarrier.arrive $0xFFFF  }
0x1a8: {  	p0 =	sne.s32 s0, $0x0;
	_ =	strace $0x90000047  }
0x1a9: {  	s0 =	sadd.s32 @!p0 $0x100000, s1;
	[bflag:$0x2] =	sbarrier.arrive $0xFFFF  }
0x1aa: {  	[sflag:s0] =	ssyncadd.tile.s32 @!p0 $0x1;
	_ =	shalt  }
.Lfunc_end2:
_tile_overlayer_lowered:
.L_overlay_start_2:
0x1ab: {  	(tag) =	ssettag $0x2  }
0x1ac: {  	s0 =	rddreg [dreg:$0x0];
	s2 =	stileid.u32  }
0x1ad: {  	s1 =	rddreg [dreg:$0x1];
	p0 =	sne.s32 s2, $0x0  }
0x1ae: {  	s3 =	rddreg [dreg:$0x2];
	[bflag:$0x3] =	sbarrier.arrive $0xFFFF;
	s2 =	simm.s32 @!p0 $0x1C03  }
0x1af: {  	[timem:s3], [sflag:s2] =	dma.local @!p0 [hbm:s0], s1  }
0x1b0: {  	s0 =	simm.s32 @!p0 $0x3  }
0x1b1: {  	_ =	swait.ge @!p0 [sflag:s0], s1  }
0x1b2: {  	s1 =	ssub.s32 @!p0 $0x0, s1;
	[sflag:s0] =	ssyncset.done @!p0 $0x0  }
0x1b3: {  	[sflag:s0] =	ssyncadd.s32 @!p0 s1  }
0x1b4: {  	[bflag:$0x3] =	sbarrier.arrive $0xFFFF  }
0x1b5: {  	_ =	shalt  }

</sc_bundles>
